<compile_context>
chip_gen: v7x
topology: tpu7x:2x2x1
jax: 0.10.2.dev20260603
libtpu: 0.0.44.dev20260713+nightly
codegen_flags: <defaults>
</compile_context>

<pallas_src>
import functools

import jax
import jax.numpy as jnp
import numpy as np
from jax import lax
from jax.experimental import pallas as pl
from jax.experimental.pallas import tpu as pltpu
from jax.experimental.pallas import tpu_sc as plsc

GRID = 64
BATCH = 8
LANES = 16
CHUNKS = GRID // LANES
BIG = np.float32(3.0e38)
BIGC = np.float32(2.5e38)
MAX_ITERS = GRID * GRID + 8


def _search_body(p_hbm, h_hbm, meta_hbm, out_hbm, p_v, h_v, g_v, key_v, c_v, meta_v):
    wid = lax.axis_index("s") * 2 + lax.axis_index("c")

    @pl.when(wid < BATCH)
    def _run():
        iota = lax.iota(jnp.int32, LANES)

        pltpu.sync_copy(p_hbm.at[wid], p_v)
        pltpu.sync_copy(h_hbm.at[wid], h_v)
        pltpu.sync_copy(meta_hbm.at[wid], meta_v)
        mv = meta_v[...]
        sr = mv[0]
        sc = mv[1]
        gr = mv[2]
        gc = mv[3]

        def _init_row(rr, _):
            for k in range(CHUNKS):
                key_v[rr, pl.ds(k * LANES, LANES)] = jnp.full((LANES,), BIG, jnp.float32)
                c_v[rr, pl.ds(k * LANES, LANES)] = jnp.zeros((LANES,), jnp.float32)
                g_v[rr, pl.ds(k * LANES, LANES)] = jnp.zeros((LANES,), jnp.float32)
            return 0
        lax.fori_loop(0, GRID, _init_row, 0)

        rsplat = jnp.full((LANES,), sr, jnp.int32)
        csplat = jnp.full((LANES,), sc, jnp.int32)
        hs = plsc.load_gather(h_v, [rsplat, csplat])[0]
        plsc.store_scatter(key_v, [rsplat, csplat],
                           jnp.full((LANES,), hs, jnp.float32), mask=iota == 0)

        rm_init = tuple(
            jnp.where(k * LANES + iota == sr, hs, jnp.full((LANES,), BIG, jnp.float32))
            for k in range(CHUNKS)
        )

        def _ffs_guarded(mask, base):
            f = plsc.all_reduce_ffs(mask)[0]
            return jnp.where(f >= LANES, jnp.int32(4096), base + f)

        def _cond(carry):
            done, t = carry[0], carry[1]
            return jnp.logical_and(done == 0, t < MAX_ITERS)

        def _one_iter(rms):
            rm0, rm1, rm2, rm3 = rms

            m = jnp.min(jnp.minimum(jnp.minimum(rm0, rm1), jnp.minimum(rm2, rm3)))
            r = jnp.minimum(
                jnp.minimum(_ffs_guarded(rm0 == m, 0), _ffs_guarded(rm1 == m, 16)),
                jnp.minimum(_ffs_guarded(rm2 == m, 32), _ffs_guarded(rm3 == m, 48)))

            kr = [key_v[r, pl.ds(k * LANES, LANES)] for k in range(CHUNKS)]
            c = jnp.minimum(
                jnp.minimum(_ffs_guarded(kr[0] == m, 0), _ffs_guarded(kr[1] == m, 16)),
                jnp.minimum(_ffs_guarded(kr[2] == m, 32), _ffs_guarded(kr[3] == m, 48)))

            done_now = jnp.logical_and(r == gr, c == gc).astype(jnp.int32)
            live = done_now == 0

            w = jnp.clip(c - 7, 0, GRID - LANES)
            col = w + iota
            dcol = col - c
            adj = jnp.logical_and(dcol >= -1, dcol <= 1)
            center = dcol == 0
            gstar = plsc.load_gather(
                g_v, [jnp.full((LANES,), r, jnp.int32), jnp.full((LANES,), c, jnp.int32)])

            cands = []
            for dr in (-1, 0, 1):
                rr_raw = r + dr
                valid = jnp.logical_and(rr_raw >= 0, rr_raw < GRID)
                rr = jnp.clip(rr_raw, 0, GRID - 1)
                rrsplat = jnp.full((LANES,), rr, jnp.int32)
                kw = key_v[rr, pl.ds(w, LANES)]
                nbr = adj if dr != 0 else jnp.logical_and(adj, ~center)
                upd = nbr & valid & (kw == BIG) & live
                ng = gstar + p_v[rr, pl.ds(w, LANES)]
                nk = ng + h_v[rr, pl.ds(w, LANES)]
                cands.append((rr, jnp.where(upd, nk, BIG)))
                plsc.store_scatter(g_v, [rrsplat, col], ng, mask=upd)
                if dr == 0:
                    plsc.store_scatter(
                        key_v, [rrsplat, col],
                        jnp.where(center, BIGC, nk), mask=upd | (center & live))
                    plsc.store_scatter(
                        c_v, [rrsplat, col], jnp.ones((LANES,), jnp.float32),
                        mask=center & live)
                else:
                    plsc.store_scatter(key_v, [rrsplat, col], nk, mask=upd)

            new_rm = list(rms)
            for j, (rr, candv) in enumerate(cands):
                if j == 1:
                    masked = [jnp.where(k * LANES + iota == c, BIG, kr[k])
                              for k in range(CHUNKS)]
                    u = jnp.minimum(jnp.minimum(masked[0], masked[1]),
                                    jnp.minimum(masked[2], masked[3]))
                    v = jnp.min(jnp.minimum(u, candv))
                    for k in range(CHUNKS):
                        new_rm[k] = jnp.where(
                            jnp.logical_and(k * LANES + iota == rr, live),
                            v, new_rm[k])
                else:
                    cm = jnp.min(candv)
                    for k in range(CHUNKS):
                        new_rm[k] = jnp.where(k * LANES + iota == rr,
                                              jnp.minimum(new_rm[k], cm), new_rm[k])

            return done_now, tuple(new_rm)

        def _step(carry):
            _, t = carry[0], carry[1]
            done, rms = _one_iter(carry[2:])
            return (done, t + 1) + rms

        lax.while_loop(_cond, _step, (jnp.int32(0), jnp.int32(0)) + rm_init)

        pltpu.sync_copy(c_v, out_hbm.at[wid])


@jax.jit
def kernel(P, H, vs, vg):
    meta = jnp.zeros((BATCH, LANES), jnp.int32)
    meta = meta.at[:, 0].set(vs[:, 0].astype(jnp.int32))
    meta = meta.at[:, 1].set(vs[:, 1].astype(jnp.int32))
    meta = meta.at[:, 2].set(vg[:, 0].astype(jnp.int32))
    meta = meta.at[:, 3].set(vg[:, 1].astype(jnp.int32))

    run = pl.kernel(
        _search_body,
        out_type=jax.ShapeDtypeStruct((BATCH, GRID, GRID), jnp.float32),
        mesh=plsc.VectorSubcoreMesh(core_axis_name="c", subcore_axis_name="s",
                                    num_cores=2, num_subcores=16),
        scratch_types=[
            pltpu.VMEM((GRID, GRID), jnp.float32),
            pltpu.VMEM((GRID, GRID), jnp.float32),
            pltpu.VMEM((GRID, GRID), jnp.float32),
            pltpu.VMEM((GRID, GRID), jnp.float32),
            pltpu.VMEM((GRID, GRID), jnp.float32),
            pltpu.VMEM((LANES,), jnp.int32),
        ],
        compiler_params=pltpu.CompilerParams(needs_layout_passes=False),
    )
    return run(P, H, meta)

# --- scband reference (transcript-rebuilt; emitter-appended) ---
"""Pipeline reference for scband-neural-astar-42125039239443 (READ-ONLY COPY).

The authoritative reference and input builder live on the scoring server;
editing this copy changes nothing except your own understanding.
"""

import jax
import jax.numpy as jnp
import numpy as np
from jax import lax

TAU = 1.0
B, N, M = 8, 64, 64

KAPPA = jnp.array([[[[1., 1., 1.], [1., 0., 1.], [1., 1., 1.]]]], dtype=jnp.float32)


def kconv(x):
    # x: [B, N, M] -> 3x3 neighbor sum (kappa kernel with 0 center), SAME padding
    y = lax.conv_general_dilated(x[:, None, :, :], KAPPA, window_strides=(1, 1),
                                 padding='SAME',
                                 dimension_numbers=('NCHW', 'OIHW', 'NCHW'))
    return y[:, 0]


def binary_argmin(x, o, tau):
    # Straight-through differentiable argmin (Eq. 6 of Neural A*)
    b, n, m = x.shape
    s = jnp.exp(-x / tau) * o
    s = s / jnp.sum(s, axis=(1, 2), keepdims=True)
    idx = jnp.argmax(s.reshape(b, -1), axis=-1)
    mask = jax.nn.one_hot(idx, n * m, dtype=s.dtype).reshape(b, n, m)
    return lax.stop_gradient(mask - s) + s


def setup_inputs(seed: int = 0) -> dict:
    key = jax.random.key(seed)
    k1, k2, k3, k4 = jax.random.split(key, 4)
    P = jax.random.uniform(k1, (B, N, M), dtype=jnp.float32)
    H = jax.random.uniform(k2, (B, N, M), dtype=jnp.float32)
    vs = jax.random.randint(k3, (B, 2), 0, N)
    vg = jax.random.randint(k4, (B, 2), 0, N)
    return {"P": P, "H": H, "vs": vs, "vg": vg}


def reference(P, H, vs, vg):
    bidx = jnp.arange(B)
    O0 = jnp.zeros((B, N, M), jnp.float32).at[bidx, vs[:, 0], vs[:, 1]].set(1.0)
    Vg = jnp.zeros((B, N, M), jnp.float32).at[bidx, vg[:, 0], vg[:, 1]].set(1.0)
    C0 = jnp.zeros((B, N, M), jnp.float32)
    G0 = jnp.zeros((B, N, M), jnp.float32)
    eta0 = jnp.ones((B,), jnp.float32)
    t0 = jnp.zeros((), jnp.int32)

    def cond(state):
        _, _, _, eta, t = state
        return jnp.logical_and(jnp.sum(eta) > 0.0, t < N * M + 8)

    def body(state):
        C, O, G, eta, t = state
        Vstar = binary_argmin(G + H, lax.stop_gradient(O), TAU)
        eta = lax.stop_gradient(1.0 - jnp.sum(Vg * Vstar, axis=(1, 2)))
        e = eta[:, None, None]
        C = C + e * Vstar
        O = O - e * Vstar
        Vnbr = kconv(Vstar) * (1.0 - O) * (1.0 - C)
        gstar = jnp.sum(G * Vstar, axis=(1, 2), keepdims=True)
        G = G * (1.0 - e * Vnbr) + e * Vnbr * (gstar + P)
        O = jnp.clip(O + e * Vnbr, 0.0, 1.0)
        return (C, O, G, eta, t + 1)

    Cf, Of, Gf, etaf, tf = lax.while_loop(cond, body, (C0, O0, G0, eta0, t0))
    # Cf is the (differentiable, straight-through) map of expanded/closed nodes
    return Cf


if False:  # reference __main__ guard neutralized (emitter)
    out = reference(**setup_inputs())
    print(out.shape, float(out.sum()))

if __name__ == "__main__":
    import jax
    _d = setup_inputs()
    print(jax.jit(kernel)(*tuple(_d.values())))

</pallas_src>

<mosaic_0001>
#map = affine_map<(d0, d1) -> (0, 0, 0)>
#map1 = affine_map<(d0, d1) -> (0, 0)>
module attributes {stable_mosaic.version = 14 : i64} {
  func.func @_search_body(%arg0: i32, %arg1: i32, %arg2: memref<8x64x64xf32, #tpu.memory_space<hbm>>, %arg3: memref<8x64x64xf32, #tpu.memory_space<hbm>>, %arg4: memref<8x16xi32, #tpu.memory_space<hbm>>, %arg5: memref<8x64x64xf32, #tpu.memory_space<hbm>>, %arg6: memref<64x64xf32, #tpu.memory_space<vmem>>, %arg7: memref<64x64xf32, #tpu.memory_space<vmem>>, %arg8: memref<64x64xf32, #tpu.memory_space<vmem>>, %arg9: memref<64x64xf32, #tpu.memory_space<vmem>>, %arg10: memref<64x64xf32, #tpu.memory_space<vmem>>, %arg11: memref<16xi32, #tpu.memory_space<vmem>>) attributes {dimension_semantics = [#tpu.dimension_semantics<core_parallel>, #tpu.dimension_semantics<subcore_parallel>], iteration_bounds = array<i64: 2, 16>, scalar_prefetch = 0 : i64, scratch_operands = 6 : i64, tpu.core_type = #tpu.core_type<sc_vector_subcore>, window_params = [{transform_indices = #map}, {transform_indices = #map}, {transform_indices = #map1}, {transform_indices = #map}]} {
    %mul3A = arith.constant 2 : i32
    %mul3A_0 = arith.muli %arg1, %mul3A : i32
    %add3A = arith.addi %mul3A_0, %arg0 : i32
    %lt3A = arith.constant 8 : i32
    %lt3A_1 = arith.cmpi slt, %add3A, %lt3A : i32
    %convert_element_type3A = arith.extui %lt3A_1 : i1 to i32
    %cond3A = arith.constant 0 : i32
    %cond3A_2 = arith.cmpi ne, %convert_element_type3A, %cond3A : i32
    scf.if %cond3A_2 {
      %iota3A = tpu.iota {dimensions = array<i32: 0>} : vector<16xi32>
      "tpu.region"() ({
        %run_scoped3A = tpu.sem_alloc : memref<!tpu.dma_semaphore, #tpu.memory_space<semaphore_mem>>
        %dma_start3A = arith.constant 0 : i32
        %dma_start3A_59 = arith.constant 0 : i32
        %dma_start3A_60 = tpu.memref_slice %arg2[%add3A, %dma_start3A, %dma_start3A_59] : memref<8x64x64xf32, #tpu.memory_space<hbm>> -> memref<1x64x64xf32, #tpu.memory_space<hbm>>
        %dma_start3A_61 = tpu.memref_squeeze %dma_start3A_60 : memref<1x64x64xf32, #tpu.memory_space<hbm>> -> memref<64x64xf32, #tpu.memory_space<hbm>>
        %dma_start3A_62 = arith.constant 0 : i32
        %dma_start3A_63 = arith.constant 0 : i32
        %dma_start3A_64 = tpu.memref_slice %arg2[%add3A, %dma_start3A_62, %dma_start3A_63] : memref<8x64x64xf32, #tpu.memory_space<hbm>> -> memref<1x64x64xf32, #tpu.memory_space<hbm>>
        %dma_start3A_65 = tpu.memref_squeeze %dma_start3A_64 : memref<1x64x64xf32, #tpu.memory_space<hbm>> -> memref<64x64xf32, #tpu.memory_space<hbm>>
        tpu.enqueue_dma source(%dma_start3A_65 : memref<64x64xf32, #tpu.memory_space<hbm>>) target(%arg6 : memref<64x64xf32, #tpu.memory_space<vmem>>) target_semaphore(%run_scoped3A : memref<!tpu.dma_semaphore, #tpu.memory_space<semaphore_mem>>)
        %dma_wait3A = arith.constant 0 : i32
        %dma_wait3A_66 = arith.constant 0 : i32
        %dma_wait3A_67 = tpu.memref_slice %arg2[%add3A, %dma_wait3A, %dma_wait3A_66] : memref<8x64x64xf32, #tpu.memory_space<hbm>> -> memref<1x64x64xf32, #tpu.memory_space<hbm>>
        %dma_wait3A_68 = tpu.memref_squeeze %dma_wait3A_67 : memref<1x64x64xf32, #tpu.memory_space<hbm>> -> memref<64x64xf32, #tpu.memory_space<hbm>>
        %dma_wait3A_69 = arith.constant 0 : i32
        %dma_wait3A_70 = arith.constant 0 : i32
        %dma_wait3A_71 = tpu.memref_slice %arg2[%add3A, %dma_wait3A_69, %dma_wait3A_70] : memref<8x64x64xf32, #tpu.memory_space<hbm>> -> memref<1x64x64xf32, #tpu.memory_space<hbm>>
        %dma_wait3A_72 = tpu.memref_squeeze %dma_wait3A_71 : memref<1x64x64xf32, #tpu.memory_space<hbm>> -> memref<64x64xf32, #tpu.memory_space<hbm>>
        tpu.wait_dma2 semaphore(%run_scoped3A : memref<!tpu.dma_semaphore, #tpu.memory_space<semaphore_mem>>) src(%dma_wait3A_72 : memref<64x64xf32, #tpu.memory_space<hbm>>) dst(%arg6 : memref<64x64xf32, #tpu.memory_space<vmem>>)
        tpu.yield
      }) : () -> ()
      "tpu.region"() ({
        %run_scoped3A = tpu.sem_alloc : memref<!tpu.dma_semaphore, #tpu.memory_space<semaphore_mem>>
        %dma_start3A = arith.constant 0 : i32
        %dma_start3A_59 = arith.constant 0 : i32
        %dma_start3A_60 = tpu.memref_slice %arg3[%add3A, %dma_start3A, %dma_start3A_59] : memref<8x64x64xf32, #tpu.memory_space<hbm>> -> memref<1x64x64xf32, #tpu.memory_space<hbm>>
        %dma_start3A_61 = tpu.memref_squeeze %dma_start3A_60 : memref<1x64x64xf32, #tpu.memory_space<hbm>> -> memref<64x64xf32, #tpu.memory_space<hbm>>
        %dma_start3A_62 = arith.constant 0 : i32
        %dma_start3A_63 = arith.constant 0 : i32
        %dma_start3A_64 = tpu.memref_slice %arg3[%add3A, %dma_start3A_62, %dma_start3A_63] : memref<8x64x64xf32, #tpu.memory_space<hbm>> -> memref<1x64x64xf32, #tpu.memory_space<hbm>>
        %dma_start3A_65 = tpu.memref_squeeze %dma_start3A_64 : memref<1x64x64xf32, #tpu.memory_space<hbm>> -> memref<64x64xf32, #tpu.memory_space<hbm>>
        tpu.enqueue_dma source(%dma_start3A_65 : memref<64x64xf32, #tpu.memory_space<hbm>>) target(%arg7 : memref<64x64xf32, #tpu.memory_space<vmem>>) target_semaphore(%run_scoped3A : memref<!tpu.dma_semaphore, #tpu.memory_space<semaphore_mem>>)
        %dma_wait3A = arith.constant 0 : i32
        %dma_wait3A_66 = arith.constant 0 : i32
        %dma_wait3A_67 = tpu.memref_slice %arg3[%add3A, %dma_wait3A, %dma_wait3A_66] : memref<8x64x64xf32, #tpu.memory_space<hbm>> -> memref<1x64x64xf32, #tpu.memory_space<hbm>>
        %dma_wait3A_68 = tpu.memref_squeeze %dma_wait3A_67 : memref<1x64x64xf32, #tpu.memory_space<hbm>> -> memref<64x64xf32, #tpu.memory_space<hbm>>
        %dma_wait3A_69 = arith.constant 0 : i32
        %dma_wait3A_70 = arith.constant 0 : i32
        %dma_wait3A_71 = tpu.memref_slice %arg3[%add3A, %dma_wait3A_69, %dma_wait3A_70] : memref<8x64x64xf32, #tpu.memory_space<hbm>> -> memref<1x64x64xf32, #tpu.memory_space<hbm>>
        %dma_wait3A_72 = tpu.memref_squeeze %dma_wait3A_71 : memref<1x64x64xf32, #tpu.memory_space<hbm>> -> memref<64x64xf32, #tpu.memory_space<hbm>>
        tpu.wait_dma2 semaphore(%run_scoped3A : memref<!tpu.dma_semaphore, #tpu.memory_space<semaphore_mem>>) src(%dma_wait3A_72 : memref<64x64xf32, #tpu.memory_space<hbm>>) dst(%arg7 : memref<64x64xf32, #tpu.memory_space<vmem>>)
        tpu.yield
      }) : () -> ()
      "tpu.region"() ({
        %run_scoped3A = tpu.sem_alloc : memref<!tpu.dma_semaphore, #tpu.memory_space<semaphore_mem>>
        %dma_start3A = arith.constant 0 : i32
        %dma_start3A_59 = tpu.memref_slice %arg4[%add3A, %dma_start3A] : memref<8x16xi32, #tpu.memory_space<hbm>> -> memref<1x16xi32, #tpu.memory_space<hbm>>
        %dma_start3A_60 = tpu.memref_squeeze %dma_start3A_59 : memref<1x16xi32, #tpu.memory_space<hbm>> -> memref<16xi32, #tpu.memory_space<hbm>>
        %dma_start3A_61 = arith.constant 0 : i32
        %dma_start3A_62 = tpu.memref_slice %arg4[%add3A, %dma_start3A_61] : memref<8x16xi32, #tpu.memory_space<hbm>> -> memref<1x16xi32, #tpu.memory_space<hbm>>
        %dma_start3A_63 = tpu.memref_squeeze %dma_start3A_62 : memref<1x16xi32, #tpu.memory_space<hbm>> -> memref<16xi32, #tpu.memory_space<hbm>>
        tpu.enqueue_dma source(%dma_start3A_63 : memref<16xi32, #tpu.memory_space<hbm>>) target(%arg11 : memref<16xi32, #tpu.memory_space<vmem>>) target_semaphore(%run_scoped3A : memref<!tpu.dma_semaphore, #tpu.memory_space<semaphore_mem>>)
        %dma_wait3A = arith.constant 0 : i32
        %dma_wait3A_64 = tpu.memref_slice %arg4[%add3A, %dma_wait3A] : memref<8x16xi32, #tpu.memory_space<hbm>> -> memref<1x16xi32, #tpu.memory_space<hbm>>
        %dma_wait3A_65 = tpu.memref_squeeze %dma_wait3A_64 : memref<1x16xi32, #tpu.memory_space<hbm>> -> memref<16xi32, #tpu.memory_space<hbm>>
        %dma_wait3A_66 = arith.constant 0 : i32
        %dma_wait3A_67 = tpu.memref_slice %arg4[%add3A, %dma_wait3A_66] : memref<8x16xi32, #tpu.memory_space<hbm>> -> memref<1x16xi32, #tpu.memory_space<hbm>>
        %dma_wait3A_68 = tpu.memref_squeeze %dma_wait3A_67 : memref<1x16xi32, #tpu.memory_space<hbm>> -> memref<16xi32, #tpu.memory_space<hbm>>
        tpu.wait_dma2 semaphore(%run_scoped3A : memref<!tpu.dma_semaphore, #tpu.memory_space<semaphore_mem>>) src(%dma_wait3A_68 : memref<16xi32, #tpu.memory_space<hbm>>) dst(%arg11 : memref<16xi32, #tpu.memory_space<vmem>>)
        tpu.yield
      }) : () -> ()
      %get3A = arith.constant 0 : index
      %get3A_3 = tpu.vector_load %arg11[%get3A] {strides = array<i32>} : memref<16xi32, #tpu.memory_space<vmem>>, vector<16xi32>,
      %slice3A = vector.extract_strided_slice %get3A_3 {offsets = [0], sizes = [1], strides = [1]} : vector<16xi32> to vector<1xi32>
      %squeeze3A = vector.extract %slice3A[0] : i32 from vector<1xi32>
      %slice3A_4 = vector.extract_strided_slice %get3A_3 {offsets = [1], sizes = [1], strides = [1]} : vector<16xi32> to vector<1xi32>
      %squeeze3A_5 = vector.extract %slice3A_4[0] : i32 from vector<1xi32>
      %slice3A_6 = vector.extract_strided_slice %get3A_3 {offsets = [2], sizes = [1], strides = [1]} : vector<16xi32> to vector<1xi32>
      %squeeze3A_7 = vector.extract %slice3A_6[0] : i32 from vector<1xi32>
      %slice3A_8 = vector.extract_strided_slice %get3A_3 {offsets = [3], sizes = [1], strides = [1]} : vector<16xi32> to vector<1xi32>
      %squeeze3A_9 = vector.extract %slice3A_8[0] : i32 from vector<1xi32>
      %scan3A = arith.constant 0 : i32
      %scan3A_10 = arith.constant 0 : i32
      %scan3A_11 = arith.constant 64 : i32
      %scan3A_12 = arith.addi %scan3A_10, %scan3A_11 : i32
      %scan3A_13 = arith.constant 1 : i32
      %scan3A_14 = scf.for %scan3A_59 = %scan3A_10 to %scan3A_12 step %scan3A_13 iter_args(%scan3A_60 = %scan3A) -> (i32)  : i32 {
        %broadcast_in_dim3A_61 = arith.constant 3.000000e+38 : f32
        %broadcast_in_dim3A_62 = vector.broadcast %broadcast_in_dim3A_61 : f32 to vector<16xf32>
        %swap3A = arith.index_cast %scan3A_59 : i32 to index
        %swap3A_63 = arith.constant 0 : index
        %swap3A_64 = tpu.vector_load %arg9[%swap3A, %swap3A_63] {strides = array<i32>} : memref<64x64xf32, #tpu.memory_space<vmem>>, vector<16xf32>,
        tpu.vector_store %arg9[%swap3A, %swap3A_63], %broadcast_in_dim3A_62 {strides = array<i32>} : memref<64x64xf32, #tpu.memory_space<vmem>>, vector<16xf32>,
        %broadcast_in_dim3A_65 = arith.constant 0.000000e+00 : f32
        %broadcast_in_dim3A_66 = vector.broadcast %broadcast_in_dim3A_65 : f32 to vector<16xf32>
        %swap3A_67 = arith.index_cast %scan3A_59 : i32 to index
        %swap3A_68 = arith.constant 0 : index
        %swap3A_69 = tpu.vector_load %arg10[%swap3A_67, %swap3A_68] {strides = array<i32>} : memref<64x64xf32, #tpu.memory_space<vmem>>, vector<16xf32>,
        tpu.vector_store %arg10[%swap3A_67, %swap3A_68], %broadcast_in_dim3A_66 {strides = array<i32>} : memref<64x64xf32, #tpu.memory_space<vmem>>, vector<16xf32>,
        %broadcast_in_dim3A_70 = arith.constant 0.000000e+00 : f32
        %broadcast_in_dim3A_71 = vector.broadcast %broadcast_in_dim3A_70 : f32 to vector<16xf32>
        %swap3A_72 = arith.index_cast %scan3A_59 : i32 to index
        %swap3A_73 = arith.constant 0 : index
        %swap3A_74 = tpu.vector_load %arg8[%swap3A_72, %swap3A_73] {strides = array<i32>} : memref<64x64xf32, #tpu.memory_space<vmem>>, vector<16xf32>,
        tpu.vector_store %arg8[%swap3A_72, %swap3A_73], %broadcast_in_dim3A_71 {strides = array<i32>} : memref<64x64xf32, #tpu.memory_space<vmem>>, vector<16xf32>,
        %broadcast_in_dim3A_75 = arith.constant 3.000000e+38 : f32
        %broadcast_in_dim3A_76 = vector.broadcast %broadcast_in_dim3A_75 : f32 to vector<16xf32>
        %swap3A_77 = arith.index_cast %scan3A_59 : i32 to index
        %swap3A_78 = arith.constant 16 : index
        %swap3A_79 = tpu.vector_load %arg9[%swap3A_77, %swap3A_78] {strides = array<i32>} : memref<64x64xf32, #tpu.memory_space<vmem>>, vector<16xf32>,
        tpu.vector_store %arg9[%swap3A_77, %swap3A_78], %broadcast_in_dim3A_76 {strides = array<i32>} : memref<64x64xf32, #tpu.memory_space<vmem>>, vector<16xf32>,
        %broadcast_in_dim3A_80 = arith.constant 0.000000e+00 : f32
        %broadcast_in_dim3A_81 = vector.broadcast %broadcast_in_dim3A_80 : f32 to vector<16xf32>
        %swap3A_82 = arith.index_cast %scan3A_59 : i32 to index
        %swap3A_83 = arith.constant 16 : index
        %swap3A_84 = tpu.vector_load %arg10[%swap3A_82, %swap3A_83] {strides = array<i32>} : memref<64x64xf32, #tpu.memory_space<vmem>>, vector<16xf32>,
        tpu.vector_store %arg10[%swap3A_82, %swap3A_83], %broadcast_in_dim3A_81 {strides = array<i32>} : memref<64x64xf32, #tpu.memory_space<vmem>>, vector<16xf32>,
        %broadcast_in_dim3A_85 = arith.constant 0.000000e+00 : f32
        %broadcast_in_dim3A_86 = vector.broadcast %broadcast_in_dim3A_85 : f32 to vector<16xf32>
        %swap3A_87 = arith.index_cast %scan3A_59 : i32 to index
        %swap3A_88 = arith.constant 16 : index
        %swap3A_89 = tpu.vector_load %arg8[%swap3A_87, %swap3A_88] {strides = array<i32>} : memref<64x64xf32, #tpu.memory_space<vmem>>, vector<16xf32>,
        tpu.vector_store %arg8[%swap3A_87, %swap3A_88], %broadcast_in_dim3A_86 {strides = array<i32>} : memref<64x64xf32, #tpu.memory_space<vmem>>, vector<16xf32>,
        %broadcast_in_dim3A_90 = arith.constant 3.000000e+38 : f32
        %broadcast_in_dim3A_91 = vector.broadcast %broadcast_in_dim3A_90 : f32 to vector<16xf32>
        %swap3A_92 = arith.index_cast %scan3A_59 : i32 to index
        %swap3A_93 = arith.constant 32 : index
        %swap3A_94 = tpu.vector_load %arg9[%swap3A_92, %swap3A_93] {strides = array<i32>} : memref<64x64xf32, #tpu.memory_space<vmem>>, vector<16xf32>,
        tpu.vector_store %arg9[%swap3A_92, %swap3A_93], %broadcast_in_dim3A_91 {strides = array<i32>} : memref<64x64xf32, #tpu.memory_space<vmem>>, vector<16xf32>,
        %broadcast_in_dim3A_95 = arith.constant 0.000000e+00 : f32
        %broadcast_in_dim3A_96 = vector.broadcast %broadcast_in_dim3A_95 : f32 to vector<16xf32>
        %swap3A_97 = arith.index_cast %scan3A_59 : i32 to index
        %swap3A_98 = arith.constant 32 : index
        %swap3A_99 = tpu.vector_load %arg10[%swap3A_97, %swap3A_98] {strides = array<i32>} : memref<64x64xf32, #tpu.memory_space<vmem>>, vector<16xf32>,
        tpu.vector_store %arg10[%swap3A_97, %swap3A_98], %broadcast_in_dim3A_96 {strides = array<i32>} : memref<64x64xf32, #tpu.memory_space<vmem>>, vector<16xf32>,
        %broadcast_in_dim3A_100 = arith.constant 0.000000e+00 : f32
        %broadcast_in_dim3A_101 = vector.broadcast %broadcast_in_dim3A_100 : f32 to vector<16xf32>
        %swap3A_102 = arith.index_cast %scan3A_59 : i32 to index
        %swap3A_103 = arith.constant 32 : index
        %swap3A_104 = tpu.vector_load %arg8[%swap3A_102, %swap3A_103] {strides = array<i32>} : memref<64x64xf32, #tpu.memory_space<vmem>>, vector<16xf32>,
        tpu.vector_store %arg8[%swap3A_102, %swap3A_103], %broadcast_in_dim3A_101 {strides = array<i32>} : memref<64x64xf32, #tpu.memory_space<vmem>>, vector<16xf32>,
        %broadcast_in_dim3A_105 = arith.constant 3.000000e+38 : f32
        %broadcast_in_dim3A_106 = vector.broadcast %broadcast_in_dim3A_105 : f32 to vector<16xf32>
        %swap3A_107 = arith.index_cast %scan3A_59 : i32 to index
        %swap3A_108 = arith.constant 48 : index
        %swap3A_109 = tpu.vector_load %arg9[%swap3A_107, %swap3A_108] {strides = array<i32>} : memref<64x64xf32, #tpu.memory_space<vmem>>, vector<16xf32>,
        tpu.vector_store %arg9[%swap3A_107, %swap3A_108], %broadcast_in_dim3A_106 {strides = array<i32>} : memref<64x64xf32, #tpu.memory_space<vmem>>, vector<16xf32>,
        %broadcast_in_dim3A_110 = arith.constant 0.000000e+00 : f32
        %broadcast_in_dim3A_111 = vector.broadcast %broadcast_in_dim3A_110 : f32 to vector<16xf32>
        %swap3A_112 = arith.index_cast %scan3A_59 : i32 to index
        %swap3A_113 = arith.constant 48 : index
        %swap3A_114 = tpu.vector_load %arg10[%swap3A_112, %swap3A_113] {strides = array<i32>} : memref<64x64xf32, #tpu.memory_space<vmem>>, vector<16xf32>,
        tpu.vector_store %arg10[%swap3A_112, %swap3A_113], %broadcast_in_dim3A_111 {strides = array<i32>} : memref<64x64xf32, #tpu.memory_space<vmem>>, vector<16xf32>,
        %broadcast_in_dim3A_115 = arith.constant 0.000000e+00 : f32
        %broadcast_in_dim3A_116 = vector.broadcast %broadcast_in_dim3A_115 : f32 to vector<16xf32>
        %swap3A_117 = arith.index_cast %scan3A_59 : i32 to index
        %swap3A_118 = arith.constant 48 : index
        %swap3A_119 = tpu.vector_load %arg8[%swap3A_117, %swap3A_118] {strides = array<i32>} : memref<64x64xf32, #tpu.memory_space<vmem>>, vector<16xf32>,
        tpu.vector_store %arg8[%swap3A_117, %swap3A_118], %broadcast_in_dim3A_116 {strides = array<i32>} : memref<64x64xf32, #tpu.memory_space<vmem>>, vector<16xf32>,
        %scan3A_120 = arith.constant 0 : i32
        scf.yield %scan3A_120 : i32
      }
      %scan3A_15 = arith.constant 64 : i32
      %broadcast_in_dim3A = vector.broadcast %squeeze3A : i32 to vector<16xi32>
      %broadcast_in_dim3A_16 = vector.broadcast %squeeze3A_5 : i32 to vector<16xi32>
      %gather3A = tpu.vector_load_idx %arg7[%broadcast_in_dim3A, %broadcast_in_dim3A_16] : memref<64x64xf32, #tpu.memory_space<vmem>>[vector<16xi32>, vector<16xi32>], vector<16xf32>,
      %slice3A_17 = vector.extract_strided_slice %gather3A {offsets = [0], sizes = [1], strides = [1]} : vector<16xf32> to vector<1xf32>
      %squeeze3A_18 = vector.extract %slice3A_17[0] : f32 from vector<1xf32>
      %broadcast_in_dim3A_19 = vector.broadcast %squeeze3A_18 : f32 to vector<16xf32>
      %eq3A = arith.constant 0 : i32
      %eq3A_20 = vector.broadcast %eq3A : i32 to vector<16xi32>
      %eq3A_21 = arith.cmpi eq, %iota3A, %eq3A_20 : vector<16xi32>
      tpu.vector_store_idx %arg9[%broadcast_in_dim3A, %broadcast_in_dim3A_16], %broadcast_in_dim3A_19 masked %eq3A_21 : memref<64x64xf32, #tpu.memory_space<vmem>>[vector<16xi32>, vector<16xi32>], vector<16xf32>, vector<16xi1>
      %add3A_22 = arith.constant 0 : i32
      %add3A_23 = vector.broadcast %add3A_22 : i32 to vector<16xi32>
      %add3A_24 = arith.addi %add3A_23, %iota3A : vector<16xi32>
      %eq3A_25 = vector.broadcast %squeeze3A : i32 to vector<16xi32>
      %eq3A_26 = arith.cmpi eq, %add3A_24, %eq3A_25 : vector<16xi32>
      %broadcast_in_dim3A_27 = arith.constant 3.000000e+38 : f32
      %broadcast_in_dim3A_28 = vector.broadcast %broadcast_in_dim3A_27 : f32 to vector<16xf32>
      %broadcast_in_dim3A_29 = vector.broadcast %squeeze3A_18 : f32 to vector<16xf32>
      %select_n3A = arith.select %eq3A_26, %broadcast_in_dim3A_29, %broadcast_in_dim3A_28 : vector<16xi1>, vector<16xf32>
      %add3A_30 = arith.constant 16 : i32
      %add3A_31 = vector.broadcast %add3A_30 : i32 to vector<16xi32>
      %add3A_32 = arith.addi %add3A_31, %iota3A : vector<16xi32>
      %eq3A_33 = vector.broadcast %squeeze3A : i32 to vector<16xi32>
      %eq3A_34 = arith.cmpi eq, %add3A_32, %eq3A_33 : vector<16xi32>
      %broadcast_in_dim3A_35 = arith.constant 3.000000e+38 : f32
      %broadcast_in_dim3A_36 = vector.broadcast %broadcast_in_dim3A_35 : f32 to vector<16xf32>
      %broadcast_in_dim3A_37 = vector.broadcast %squeeze3A_18 : f32 to vector<16xf32>
      %select_n3A_38 = arith.select %eq3A_34, %broadcast_in_dim3A_37, %broadcast_in_dim3A_36 : vector<16xi1>, vector<16xf32>
      %add3A_39 = arith.constant 32 : i32
      %add3A_40 = vector.broadcast %add3A_39 : i32 to vector<16xi32>
      %add3A_41 = arith.addi %add3A_40, %iota3A : vector<16xi32>
      %eq3A_42 = vector.broadcast %squeeze3A : i32 to vector<16xi32>
      %eq3A_43 = arith.cmpi eq, %add3A_41, %eq3A_42 : vector<16xi32>
      %broadcast_in_dim3A_44 = arith.constant 3.000000e+38 : f32
      %broadcast_in_dim3A_45 = vector.broadcast %broadcast_in_dim3A_44 : f32 to vector<16xf32>
      %broadcast_in_dim3A_46 = vector.broadcast %squeeze3A_18 : f32 to vector<16xf32>
      %select_n3A_47 = arith.select %eq3A_43, %broadcast_in_dim3A_46, %broadcast_in_dim3A_45 : vector<16xi1>, vector<16xf32>
      %add3A_48 = arith.constant 48 : i32
      %add3A_49 = vector.broadcast %add3A_48 : i32 to vector<16xi32>
      %add3A_50 = arith.addi %add3A_49, %iota3A : vector<16xi32>
      %eq3A_51 = vector.broadcast %squeeze3A : i32 to vector<16xi32>
      %eq3A_52 = arith.cmpi eq, %add3A_50, %eq3A_51 : vector<16xi32>
      %broadcast_in_dim3A_53 = arith.constant 3.000000e+38 : f32
      %broadcast_in_dim3A_54 = vector.broadcast %broadcast_in_dim3A_53 : f32 to vector<16xf32>
      %broadcast_in_dim3A_55 = vector.broadcast %squeeze3A_18 : f32 to vector<16xf32>
      %select_n3A_56 = arith.select %eq3A_52, %broadcast_in_dim3A_55, %broadcast_in_dim3A_54 : vector<16xi1>, vector<16xf32>
      %while3A = arith.constant 0 : i32
      %while3A_57 = arith.constant 0 : i32
      %while3A_58:6 = scf.while (%while3A_59 = %while3A, %while3A_60 = %while3A_57, %while3A_61 = %select_n3A, %while3A_62 = %select_n3A_38, %while3A_63 = %select_n3A_47, %while3A_64 = %select_n3A_56) : (i32, i32, vector<16xf32>, vector<16xf32>, vector<16xf32>, vector<16xf32>) -> (i32, i32, vector<16xf32>, vector<16xf32>, vector<16xf32>, vector<16xf32>) {
        %eq3A_65 = arith.constant 0 : i32
        %eq3A_66 = arith.cmpi eq, %while3A_59, %eq3A_65 : i32
        %lt3A_67 = arith.constant 4104 : i32
        %lt3A_68 = arith.cmpi slt, %while3A_60, %lt3A_67 : i32
        %and3A = arith.andi %eq3A_66, %lt3A_68 : i1
        scf.condition(%and3A) %while3A_59, %while3A_60, %while3A_61, %while3A_62, %while3A_63, %while3A_64 : i32, i32, vector<16xf32>, vector<16xf32>, vector<16xf32>, vector<16xf32>
      } do {
      ^bb0(%while3A_59: i32, %while3A_60: i32, %while3A_61: vector<16xf32>, %while3A_62: vector<16xf32>, %while3A_63: vector<16xf32>, %while3A_64: vector<16xf32>):
        %min3A = arith.minimumf %while3A_61, %while3A_62 : vector<16xf32>
        %min3A_65 = arith.minimumf %while3A_63, %while3A_64 : vector<16xf32>
        %min3A_66 = arith.minimumf %min3A, %min3A_65 : vector<16xf32>
        %reduce_min3A = arith.constant true
        %reduce_min3A_67 = vector.broadcast %reduce_min3A : i1 to vector<16xi1>
        %reduce_min3A_68 = tpu.scan <min>, %min3A_66 masked %reduce_min3A_67 : vector<16xf32>, vector<16xi1> -> vector<16xf32>
        %reduce_min3A_69 = vector.extract %reduce_min3A_68[15] : f32 from vector<16xf32>
        %eq3A_70 = vector.broadcast %reduce_min3A_69 : f32 to vector<16xf32>
        %eq3A_71 = arith.cmpf oeq, %while3A_61, %eq3A_70 : vector<16xf32>
        %all_reduce_ffs3A = tpu.all_reduce %eq3A_71 {dim = 0 : i64, kind = #tpu.reduction_kind<find_first_set>} : vector<16xi1> -> vector<16xi32>
        %slice3A_72 = vector.extract_strided_slice %all_reduce_ffs3A {offsets = [0], sizes = [1], strides = [1]} : vector<16xi32> to vector<1xi32>
        %squeeze3A_73 = vector.extract %slice3A_72[0] : i32 from vector<1xi32>
        %ge3A = arith.constant 16 : i32
        %ge3A_74 = arith.cmpi sge, %squeeze3A_73, %ge3A : i32
        %add3A_75 = arith.constant 0 : i32
        %add3A_76 = arith.addi %add3A_75, %squeeze3A_73 : i32
        %jit3A = arith.constant 4096 : i32
        %select_n3A_77 = arith.select %ge3A_74, %jit3A, %add3A_76 : i32
        %eq3A_78 = vector.broadcast %reduce_min3A_69 : f32 to vector<16xf32>
        %eq3A_79 = arith.cmpf oeq, %while3A_62, %eq3A_78 : vector<16xf32>
        %all_reduce_ffs3A_80 = tpu.all_reduce %eq3A_79 {dim = 0 : i64, kind = #tpu.reduction_kind<find_first_set>} : vector<16xi1> -> vector<16xi32>
        %slice3A_81 = vector.extract_strided_slice %all_reduce_ffs3A_80 {offsets = [0], sizes = [1], strides = [1]} : vector<16xi32> to vector<1xi32>
        %squeeze3A_82 = vector.extract %slice3A_81[0] : i32 from vector<1xi32>
        %ge3A_83 = arith.constant 16 : i32
        %ge3A_84 = arith.cmpi sge, %squeeze3A_82, %ge3A_83 : i32
        %add3A_85 = arith.constant 16 : i32
        %add3A_86 = arith.addi %add3A_85, %squeeze3A_82 : i32
        %jit3A_87 = arith.constant 4096 : i32
        %select_n3A_88 = arith.select %ge3A_84, %jit3A_87, %add3A_86 : i32
        %min3A_89 = arith.minsi %select_n3A_77, %select_n3A_88 : i32
        %eq3A_90 = vector.broadcast %reduce_min3A_69 : f32 to vector<16xf32>
        %eq3A_91 = arith.cmpf oeq, %while3A_63, %eq3A_90 : vector<16xf32>
        %all_reduce_ffs3A_92 = tpu.all_reduce %eq3A_91 {dim = 0 : i64, kind = #tpu.reduction_kind<find_first_set>} : vector<16xi1> -> vector<16xi32>
        %slice3A_93 = vector.extract_strided_slice %all_reduce_ffs3A_92 {offsets = [0], sizes = [1], strides = [1]} : vector<16xi32> to vector<1xi32>
        %squeeze3A_94 = vector.extract %slice3A_93[0] : i32 from vector<1xi32>
        %ge3A_95 = arith.constant 16 : i32
        %ge3A_96 = arith.cmpi sge, %squeeze3A_94, %ge3A_95 : i32
        %add3A_97 = arith.constant 32 : i32
        %add3A_98 = arith.addi %add3A_97, %squeeze3A_94 : i32
        %jit3A_99 = arith.constant 4096 : i32
        %select_n3A_100 = arith.select %ge3A_96, %jit3A_99, %add3A_98 : i32
        %eq3A_101 = vector.broadcast %reduce_min3A_69 : f32 to vector<16xf32>
        %eq3A_102 = arith.cmpf oeq, %while3A_64, %eq3A_101 : vector<16xf32>
        %all_reduce_ffs3A_103 = tpu.all_reduce %eq3A_102 {dim = 0 : i64, kind = #tpu.reduction_kind<find_first_set>} : vector<16xi1> -> vector<16xi32>
        %slice3A_104 = vector.extract_strided_slice %all_reduce_ffs3A_103 {offsets = [0], sizes = [1], strides = [1]} : vector<16xi32> to vector<1xi32>
        %squeeze3A_105 = vector.extract %slice3A_104[0] : i32 from vector<1xi32>
        %ge3A_106 = arith.constant 16 : i32
        %ge3A_107 = arith.cmpi sge, %squeeze3A_105, %ge3A_106 : i32
        %add3A_108 = arith.constant 48 : i32
        %add3A_109 = arith.addi %add3A_108, %squeeze3A_105 : i32
        %jit3A_110 = arith.constant 4096 : i32
        %select_n3A_111 = arith.select %ge3A_107, %jit3A_110, %add3A_109 : i32
        %min3A_112 = arith.minsi %select_n3A_100, %select_n3A_111 : i32
        %min3A_113 = arith.minsi %min3A_89, %min3A_112 : i32
        %get3A_114 = arith.index_cast %min3A_113 : i32 to index
        %get3A_115 = arith.constant 0 : index
        %get3A_116 = tpu.vector_load %arg9[%get3A_114, %get3A_115] {strides = array<i32>} : memref<64x64xf32, #tpu.memory_space<vmem>>, vector<16xf32>,
        %get3A_117 = arith.index_cast %min3A_113 : i32 to index
        %get3A_118 = arith.constant 16 : index
        %get3A_119 = tpu.vector_load %arg9[%get3A_117, %get3A_118] {strides = array<i32>} : memref<64x64xf32, #tpu.memory_space<vmem>>, vector<16xf32>,
        %get3A_120 = arith.index_cast %min3A_113 : i32 to index
        %get3A_121 = arith.constant 32 : index
        %get3A_122 = tpu.vector_load %arg9[%get3A_120, %get3A_121] {strides = array<i32>} : memref<64x64xf32, #tpu.memory_space<vmem>>, vector<16xf32>,
        %get3A_123 = arith.index_cast %min3A_113 : i32 to index
        %get3A_124 = arith.constant 48 : index
        %get3A_125 = tpu.vector_load %arg9[%get3A_123, %get3A_124] {strides = array<i32>} : memref<64x64xf32, #tpu.memory_space<vmem>>, vector<16xf32>,
        %eq3A_126 = vector.broadcast %reduce_min3A_69 : f32 to vector<16xf32>
        %eq3A_127 = arith.cmpf oeq, %get3A_116, %eq3A_126 : vector<16xf32>
        %all_reduce_ffs3A_128 = tpu.all_reduce %eq3A_127 {dim = 0 : i64, kind = #tpu.reduction_kind<find_first_set>} : vector<16xi1> -> vector<16xi32>
        %slice3A_129 = vector.extract_strided_slice %all_reduce_ffs3A_128 {offsets = [0], sizes = [1], strides = [1]} : vector<16xi32> to vector<1xi32>
        %squeeze3A_130 = vector.extract %slice3A_129[0] : i32 from vector<1xi32>
        %ge3A_131 = arith.constant 16 : i32
        %ge3A_132 = arith.cmpi sge, %squeeze3A_130, %ge3A_131 : i32
        %add3A_133 = arith.constant 0 : i32
        %add3A_134 = arith.addi %add3A_133, %squeeze3A_130 : i32
        %jit3A_135 = arith.constant 4096 : i32
        %select_n3A_136 = arith.select %ge3A_132, %jit3A_135, %add3A_134 : i32
        %eq3A_137 = vector.broadcast %reduce_min3A_69 : f32 to vector<16xf32>
        %eq3A_138 = arith.cmpf oeq, %get3A_119, %eq3A_137 : vector<16xf32>
        %all_reduce_ffs3A_139 = tpu.all_reduce %eq3A_138 {dim = 0 : i64, kind = #tpu.reduction_kind<find_first_set>} : vector<16xi1> -> vector<16xi32>
        %slice3A_140 = vector.extract_strided_slice %all_reduce_ffs3A_139 {offsets = [0], sizes = [1], strides = [1]} : vector<16xi32> to vector<1xi32>
        %squeeze3A_141 = vector.extract %slice3A_140[0] : i32 from vector<1xi32>
        %ge3A_142 = arith.constant 16 : i32
        %ge3A_143 = arith.cmpi sge, %squeeze3A_141, %ge3A_142 : i32
        %add3A_144 = arith.constant 16 : i32
        %add3A_145 = arith.addi %add3A_144, %squeeze3A_141 : i32
        %jit3A_146 = arith.constant 4096 : i32
        %select_n3A_147 = arith.select %ge3A_143, %jit3A_146, %add3A_145 : i32
        %min3A_148 = arith.minsi %select_n3A_136, %select_n3A_147 : i32
        %eq3A_149 = vector.broadcast %reduce_min3A_69 : f32 to vector<16xf32>
        %eq3A_150 = arith.cmpf oeq, %get3A_122, %eq3A_149 : vector<16xf32>
        %all_reduce_ffs3A_151 = tpu.all_reduce %eq3A_150 {dim = 0 : i64, kind = #tpu.reduction_kind<find_first_set>} : vector<16xi1> -> vector<16xi32>
        %slice3A_152 = vector.extract_strided_slice %all_reduce_ffs3A_151 {offsets = [0], sizes = [1], strides = [1]} : vector<16xi32> to vector<1xi32>
        %squeeze3A_153 = vector.extract %slice3A_152[0] : i32 from vector<1xi32>
        %ge3A_154 = arith.constant 16 : i32
        %ge3A_155 = arith.cmpi sge, %squeeze3A_153, %ge3A_154 : i32
        %add3A_156 = arith.constant 32 : i32
        %add3A_157 = arith.addi %add3A_156, %squeeze3A_153 : i32
        %jit3A_158 = arith.constant 4096 : i32
        %select_n3A_159 = arith.select %ge3A_155, %jit3A_158, %add3A_157 : i32
        %eq3A_160 = vector.broadcast %reduce_min3A_69 : f32 to vector<16xf32>
        %eq3A_161 = arith.cmpf oeq, %get3A_125, %eq3A_160 : vector<16xf32>
        %all_reduce_ffs3A_162 = tpu.all_reduce %eq3A_161 {dim = 0 : i64, kind = #tpu.reduction_kind<find_first_set>} : vector<16xi1> -> vector<16xi32>
        %slice3A_163 = vector.extract_strided_slice %all_reduce_ffs3A_162 {offsets = [0], sizes = [1], strides = [1]} : vector<16xi32> to vector<1xi32>
        %squeeze3A_164 = vector.extract %slice3A_163[0] : i32 from vector<1xi32>
        %ge3A_165 = arith.constant 16 : i32
        %ge3A_166 = arith.cmpi sge, %squeeze3A_164, %ge3A_165 : i32
        %add3A_167 = arith.constant 48 : i32
        %add3A_168 = arith.addi %add3A_167, %squeeze3A_164 : i32
        %jit3A_169 = arith.constant 4096 : i32
        %select_n3A_170 = arith.select %ge3A_166, %jit3A_169, %add3A_168 : i32
        %min3A_171 = arith.minsi %select_n3A_159, %select_n3A_170 : i32
        %min3A_172 = arith.minsi %min3A_148, %min3A_171 : i32
        %eq3A_173 = arith.cmpi eq, %min3A_113, %squeeze3A_7 : i32
        %eq3A_174 = arith.cmpi eq, %min3A_172, %squeeze3A_9 : i32
        %and3A = arith.andi %eq3A_173, %eq3A_174 : i1
        %convert_element_type3A_175 = arith.extui %and3A : i1 to i32
        %eq3A_176 = arith.constant 0 : i32
        %eq3A_177 = arith.cmpi eq, %convert_element_type3A_175, %eq3A_176 : i32
        %sub3A = arith.constant 7 : i32
        %sub3A_178 = arith.subi %min3A_172, %sub3A : i32
        %jit3A_179 = arith.constant 0 : i32
        %jit3A_180 = arith.constant 48 : i32
        %max3A = arith.maxsi %jit3A_179, %sub3A_178 : i32
        %min3A_181 = arith.minsi %jit3A_180, %max3A : i32
        %add3A_182 = vector.broadcast %min3A_181 : i32 to vector<16xi32>
        %add3A_183 = arith.addi %add3A_182, %iota3A : vector<16xi32>
        %sub3A_184 = vector.broadcast %min3A_172 : i32 to vector<16xi32>
        %sub3A_185 = arith.subi %add3A_183, %sub3A_184 : vector<16xi32>
        %ge3A_186 = arith.constant -1 : i32
        %ge3A_187 = vector.broadcast %ge3A_186 : i32 to vector<16xi32>
        %ge3A_188 = arith.cmpi sge, %sub3A_185, %ge3A_187 : vector<16xi32>
        %le3A = arith.constant 1 : i32
        %le3A_189 = vector.broadcast %le3A : i32 to vector<16xi32>
        %le3A_190 = arith.cmpi sle, %sub3A_185, %le3A_189 : vector<16xi32>
        %and3A_191 = arith.andi %ge3A_188, %le3A_190 : vector<16xi1>
        %eq3A_192 = arith.constant 0 : i32
        %eq3A_193 = vector.broadcast %eq3A_192 : i32 to vector<16xi32>
        %eq3A_194 = arith.cmpi eq, %sub3A_185, %eq3A_193 : vector<16xi32>
        %broadcast_in_dim3A_195 = vector.broadcast %min3A_113 : i32 to vector<16xi32>
        %broadcast_in_dim3A_196 = vector.broadcast %min3A_172 : i32 to vector<16xi32>
        %gather3A_197 = tpu.vector_load_idx %arg8[%broadcast_in_dim3A_195, %broadcast_in_dim3A_196] : memref<64x64xf32, #tpu.memory_space<vmem>>[vector<16xi32>, vector<16xi32>], vector<16xf32>,
        %add3A_198 = arith.constant -1 : i32
        %add3A_199 = arith.addi %min3A_113, %add3A_198 : i32
        %ge3A_200 = arith.constant 0 : i32
        %ge3A_201 = arith.cmpi sge, %add3A_199, %ge3A_200 : i32
        %lt3A_202 = arith.constant 64 : i32
        %lt3A_203 = arith.cmpi slt, %add3A_199, %lt3A_202 : i32
        %and3A_204 = arith.andi %ge3A_201, %lt3A_203 : i1
        %jit3A_205 = arith.constant 0 : i32
        %jit3A_206 = arith.constant 63 : i32
        %max3A_207 = arith.maxsi %jit3A_205, %add3A_199 : i32
        %min3A_208 = arith.minsi %jit3A_206, %max3A_207 : i32
        %broadcast_in_dim3A_209 = vector.broadcast %min3A_208 : i32 to vector<16xi32>
        %get3A_210 = arith.index_cast %min3A_208 : i32 to index
        %get3A_211 = arith.index_cast %min3A_181 : i32 to index
        %get3A_212 = tpu.vector_load %arg9[%get3A_210, %get3A_211] {strides = array<i32>} : memref<64x64xf32, #tpu.memory_space<vmem>>, vector<16xf32>,
        %and3A_213 = vector.broadcast %and3A_204 : i1 to vector<16xi1>
        %and3A_214 = arith.andi %and3A_191, %and3A_213 : vector<16xi1>
        %eq3A_215 = arith.constant 3.000000e+38 : f32
        %eq3A_216 = vector.broadcast %eq3A_215 : f32 to vector<16xf32>
        %eq3A_217 = arith.cmpf oeq, %get3A_212, %eq3A_216 : vector<16xf32>
        %and3A_218 = arith.andi %and3A_214, %eq3A_217 : vector<16xi1>
        %and3A_219 = vector.broadcast %eq3A_177 : i1 to vector<16xi1>
        %and3A_220 = arith.andi %and3A_218, %and3A_219 : vector<16xi1>
        %get3A_221 = arith.index_cast %min3A_208 : i32 to index
        %get3A_222 = arith.index_cast %min3A_181 : i32 to index
        %get3A_223 = tpu.vector_load %arg6[%get3A_221, %get3A_222] {strides = array<i32>} : memref<64x64xf32, #tpu.memory_space<vmem>>, vector<16xf32>,
        %add3A_224 = arith.addf %gather3A_197, %get3A_223 : vector<16xf32>
        %get3A_225 = arith.index_cast %min3A_208 : i32 to index
        %get3A_226 = arith.index_cast %min3A_181 : i32 to index
        %get3A_227 = tpu.vector_load %arg7[%get3A_225, %get3A_226] {strides = array<i32>} : memref<64x64xf32, #tpu.memory_space<vmem>>, vector<16xf32>,
        %add3A_228 = arith.addf %add3A_224, %get3A_227 : vector<16xf32>
        %jit3A_229 = arith.constant 3.000000e+38 : f32
        %broadcast_in_dim3A_230 = vector.broadcast %jit3A_229 : f32 to vector<16xf32>
        %select_n3A_231 = arith.select %and3A_220, %add3A_228, %broadcast_in_dim3A_230 : vector<16xi1>, vector<16xf32>
        tpu.vector_store_idx %arg8[%broadcast_in_dim3A_209, %add3A_183], %add3A_224 masked %and3A_220 : memref<64x64xf32, #tpu.memory_space<vmem>>[vector<16xi32>, vector<16xi32>], vector<16xf32>, vector<16xi1>
        tpu.vector_store_idx %arg9[%broadcast_in_dim3A_209, %add3A_183], %add3A_228 masked %and3A_220 : memref<64x64xf32, #tpu.memory_space<vmem>>[vector<16xi32>, vector<16xi32>], vector<16xf32>, vector<16xi1>
        %add3A_232 = arith.constant 0 : i32
        %add3A_233 = arith.addi %min3A_113, %add3A_232 : i32
        %ge3A_234 = arith.constant 0 : i32
        %ge3A_235 = arith.cmpi sge, %add3A_233, %ge3A_234 : i32
        %lt3A_236 = arith.constant 64 : i32
        %lt3A_237 = arith.cmpi slt, %add3A_233, %lt3A_236 : i32
        %and3A_238 = arith.andi %ge3A_235, %lt3A_237 : i1
        %jit3A_239 = arith.constant 0 : i32
        %jit3A_240 = arith.constant 63 : i32
        %max3A_241 = arith.maxsi %jit3A_239, %add3A_233 : i32
        %min3A_242 = arith.minsi %jit3A_240, %max3A_241 : i32
        %broadcast_in_dim3A_243 = vector.broadcast %min3A_242 : i32 to vector<16xi32>
        %get3A_244 = arith.index_cast %min3A_242 : i32 to index
        %get3A_245 = arith.index_cast %min3A_181 : i32 to index
        %get3A_246 = tpu.vector_load %arg9[%get3A_244, %get3A_245] {strides = array<i32>} : memref<64x64xf32, #tpu.memory_space<vmem>>, vector<16xf32>,
        %not3A = arith.constant dense<true> : vector<16xi1>
        %not3A_247 = arith.xori %eq3A_194, %not3A : vector<16xi1>
        %and3A_248 = arith.andi %and3A_191, %not3A_247 : vector<16xi1>
        %and3A_249 = vector.broadcast %and3A_238 : i1 to vector<16xi1>
        %and3A_250 = arith.andi %and3A_248, %and3A_249 : vector<16xi1>
        %eq3A_251 = arith.constant 3.000000e+38 : f32
        %eq3A_252 = vector.broadcast %eq3A_251 : f32 to vector<16xf32>
        %eq3A_253 = arith.cmpf oeq, %get3A_246, %eq3A_252 : vector<16xf32>
        %and3A_254 = arith.andi %and3A_250, %eq3A_253 : vector<16xi1>
        %and3A_255 = vector.broadcast %eq3A_177 : i1 to vector<16xi1>
        %and3A_256 = arith.andi %and3A_254, %and3A_255 : vector<16xi1>
        %get3A_257 = arith.index_cast %min3A_242 : i32 to index
        %get3A_258 = arith.index_cast %min3A_181 : i32 to index
        %get3A_259 = tpu.vector_load %arg6[%get3A_257, %get3A_258] {strides = array<i32>} : memref<64x64xf32, #tpu.memory_space<vmem>>, vector<16xf32>,
        %add3A_260 = arith.addf %gather3A_197, %get3A_259 : vector<16xf32>
        %get3A_261 = arith.index_cast %min3A_242 : i32 to index
        %get3A_262 = arith.index_cast %min3A_181 : i32 to index
        %get3A_263 = tpu.vector_load %arg7[%get3A_261, %get3A_262] {strides = array<i32>} : memref<64x64xf32, #tpu.memory_space<vmem>>, vector<16xf32>,
        %add3A_264 = arith.addf %add3A_260, %get3A_263 : vector<16xf32>
        %jit3A_265 = arith.constant 3.000000e+38 : f32
        %broadcast_in_dim3A_266 = vector.broadcast %jit3A_265 : f32 to vector<16xf32>
        %select_n3A_267 = arith.select %and3A_256, %add3A_264, %broadcast_in_dim3A_266 : vector<16xi1>, vector<16xf32>
        tpu.vector_store_idx %arg8[%broadcast_in_dim3A_243, %add3A_183], %add3A_260 masked %and3A_256 : memref<64x64xf32, #tpu.memory_space<vmem>>[vector<16xi32>, vector<16xi32>], vector<16xf32>, vector<16xi1>
        %jit3A_268 = arith.constant 2.500000e+38 : f32
        %broadcast_in_dim3A_269 = vector.broadcast %jit3A_268 : f32 to vector<16xf32>
        %select_n3A_270 = arith.select %eq3A_194, %broadcast_in_dim3A_269, %add3A_264 : vector<16xi1>, vector<16xf32>
        %and3A_271 = vector.broadcast %eq3A_177 : i1 to vector<16xi1>
        %and3A_272 = arith.andi %eq3A_194, %and3A_271 : vector<16xi1>
        %or3A = arith.ori %and3A_256, %and3A_272 : vector<16xi1>
        tpu.vector_store_idx %arg9[%broadcast_in_dim3A_243, %add3A_183], %select_n3A_270 masked %or3A : memref<64x64xf32, #tpu.memory_space<vmem>>[vector<16xi32>, vector<16xi32>], vector<16xf32>, vector<16xi1>
        %broadcast_in_dim3A_273 = arith.constant 1.000000e+00 : f32
        %broadcast_in_dim3A_274 = vector.broadcast %broadcast_in_dim3A_273 : f32 to vector<16xf32>
        %and3A_275 = vector.broadcast %eq3A_177 : i1 to vector<16xi1>
        %and3A_276 = arith.andi %eq3A_194, %and3A_275 : vector<16xi1>
        tpu.vector_store_idx %arg10[%broadcast_in_dim3A_243, %add3A_183], %broadcast_in_dim3A_274 masked %and3A_276 : memref<64x64xf32, #tpu.memory_space<vmem>>[vector<16xi32>, vector<16xi32>], vector<16xf32>, vector<16xi1>
        %add3A_277 = arith.constant 1 : i32
        %add3A_278 = arith.addi %min3A_113, %add3A_277 : i32
        %ge3A_279 = arith.constant 0 : i32
        %ge3A_280 = arith.cmpi sge, %add3A_278, %ge3A_279 : i32
        %lt3A_281 = arith.constant 64 : i32
        %lt3A_282 = arith.cmpi slt, %add3A_278, %lt3A_281 : i32
        %and3A_283 = arith.andi %ge3A_280, %lt3A_282 : i1
        %jit3A_284 = arith.constant 0 : i32
        %jit3A_285 = arith.constant 63 : i32
        %max3A_286 = arith.maxsi %jit3A_284, %add3A_278 : i32
        %min3A_287 = arith.minsi %jit3A_285, %max3A_286 : i32
        %broadcast_in_dim3A_288 = vector.broadcast %min3A_287 : i32 to vector<16xi32>
        %get3A_289 = arith.index_cast %min3A_287 : i32 to index
        %get3A_290 = arith.index_cast %min3A_181 : i32 to index
        %get3A_291 = tpu.vector_load %arg9[%get3A_289, %get3A_290] {strides = array<i32>} : memref<64x64xf32, #tpu.memory_space<vmem>>, vector<16xf32>,
        %and3A_292 = vector.broadcast %and3A_283 : i1 to vector<16xi1>
        %and3A_293 = arith.andi %and3A_191, %and3A_292 : vector<16xi1>
        %eq3A_294 = arith.constant 3.000000e+38 : f32
        %eq3A_295 = vector.broadcast %eq3A_294 : f32 to vector<16xf32>
        %eq3A_296 = arith.cmpf oeq, %get3A_291, %eq3A_295 : vector<16xf32>
        %and3A_297 = arith.andi %and3A_293, %eq3A_296 : vector<16xi1>
        %and3A_298 = vector.broadcast %eq3A_177 : i1 to vector<16xi1>
        %and3A_299 = arith.andi %and3A_297, %and3A_298 : vector<16xi1>
        %get3A_300 = arith.index_cast %min3A_287 : i32 to index
        %get3A_301 = arith.index_cast %min3A_181 : i32 to index
        %get3A_302 = tpu.vector_load %arg6[%get3A_300, %get3A_301] {strides = array<i32>} : memref<64x64xf32, #tpu.memory_space<vmem>>, vector<16xf32>,
        %add3A_303 = arith.addf %gather3A_197, %get3A_302 : vector<16xf32>
        %get3A_304 = arith.index_cast %min3A_287 : i32 to index
        %get3A_305 = arith.index_cast %min3A_181 : i32 to index
        %get3A_306 = tpu.vector_load %arg7[%get3A_304, %get3A_305] {strides = array<i32>} : memref<64x64xf32, #tpu.memory_space<vmem>>, vector<16xf32>,
        %add3A_307 = arith.addf %add3A_303, %get3A_306 : vector<16xf32>
        %jit3A_308 = arith.constant 3.000000e+38 : f32
        %broadcast_in_dim3A_309 = vector.broadcast %jit3A_308 : f32 to vector<16xf32>
        %select_n3A_310 = arith.select %and3A_299, %add3A_307, %broadcast_in_dim3A_309 : vector<16xi1>, vector<16xf32>
        tpu.vector_store_idx %arg8[%broadcast_in_dim3A_288, %add3A_183], %add3A_303 masked %and3A_299 : memref<64x64xf32, #tpu.memory_space<vmem>>[vector<16xi32>, vector<16xi32>], vector<16xf32>, vector<16xi1>
        tpu.vector_store_idx %arg9[%broadcast_in_dim3A_288, %add3A_183], %add3A_307 masked %and3A_299 : memref<64x64xf32, #tpu.memory_space<vmem>>[vector<16xi32>, vector<16xi32>], vector<16xf32>, vector<16xi1>
        %reduce_min3A_311 = arith.constant true
        %reduce_min3A_312 = vector.broadcast %reduce_min3A_311 : i1 to vector<16xi1>
        %reduce_min3A_313 = tpu.scan <min>, %select_n3A_231 masked %reduce_min3A_312 : vector<16xf32>, vector<16xi1> -> vector<16xf32>
        %reduce_min3A_314 = vector.extract %reduce_min3A_313[15] : f32 from vector<16xf32>
        %add3A_315 = arith.constant 0 : i32
        %add3A_316 = vector.broadcast %add3A_315 : i32 to vector<16xi32>
        %add3A_317 = arith.addi %add3A_316, %iota3A : vector<16xi32>
        %eq3A_318 = vector.broadcast %min3A_208 : i32 to vector<16xi32>
        %eq3A_319 = arith.cmpi eq, %add3A_317, %eq3A_318 : vector<16xi32>
        %min3A_320 = vector.broadcast %reduce_min3A_314 : f32 to vector<16xf32>
        %min3A_321 = arith.minimumf %while3A_61, %min3A_320 : vector<16xf32>
        %select_n3A_322 = arith.select %eq3A_319, %min3A_321, %while3A_61 : vector<16xi1>, vector<16xf32>
        %add3A_323 = arith.constant 16 : i32
        %add3A_324 = vector.broadcast %add3A_323 : i32 to vector<16xi32>
        %add3A_325 = arith.addi %add3A_324, %iota3A : vector<16xi32>
        %eq3A_326 = vector.broadcast %min3A_208 : i32 to vector<16xi32>
        %eq3A_327 = arith.cmpi eq, %add3A_325, %eq3A_326 : vector<16xi32>
        %min3A_328 = vector.broadcast %reduce_min3A_314 : f32 to vector<16xf32>
        %min3A_329 = arith.minimumf %while3A_62, %min3A_328 : vector<16xf32>
        %select_n3A_330 = arith.select %eq3A_327, %min3A_329, %while3A_62 : vector<16xi1>, vector<16xf32>
        %add3A_331 = arith.constant 32 : i32
        %add3A_332 = vector.broadcast %add3A_331 : i32 to vector<16xi32>
        %add3A_333 = arith.addi %add3A_332, %iota3A : vector<16xi32>
        %eq3A_334 = vector.broadcast %min3A_208 : i32 to vector<16xi32>
        %eq3A_335 = arith.cmpi eq, %add3A_333, %eq3A_334 : vector<16xi32>
        %min3A_336 = vector.broadcast %reduce_min3A_314 : f32 to vector<16xf32>
        %min3A_337 = arith.minimumf %while3A_63, %min3A_336 : vector<16xf32>
        %select_n3A_338 = arith.select %eq3A_335, %min3A_337, %while3A_63 : vector<16xi1>, vector<16xf32>
        %add3A_339 = arith.constant 48 : i32
        %add3A_340 = vector.broadcast %add3A_339 : i32 to vector<16xi32>
        %add3A_341 = arith.addi %add3A_340, %iota3A : vector<16xi32>
        %eq3A_342 = vector.broadcast %min3A_208 : i32 to vector<16xi32>
        %eq3A_343 = arith.cmpi eq, %add3A_341, %eq3A_342 : vector<16xi32>
        %min3A_344 = vector.broadcast %reduce_min3A_314 : f32 to vector<16xf32>
        %min3A_345 = arith.minimumf %while3A_64, %min3A_344 : vector<16xf32>
        %select_n3A_346 = arith.select %eq3A_343, %min3A_345, %while3A_64 : vector<16xi1>, vector<16xf32>
        %add3A_347 = arith.constant 0 : i32
        %add3A_348 = vector.broadcast %add3A_347 : i32 to vector<16xi32>
        %add3A_349 = arith.addi %add3A_348, %iota3A : vector<16xi32>
        %eq3A_350 = vector.broadcast %min3A_172 : i32 to vector<16xi32>
        %eq3A_351 = arith.cmpi eq, %add3A_349, %eq3A_350 : vector<16xi32>
        %jit3A_352 = arith.constant 3.000000e+38 : f32
        %broadcast_in_dim3A_353 = vector.broadcast %jit3A_352 : f32 to vector<16xf32>
        %select_n3A_354 = arith.select %eq3A_351, %broadcast_in_dim3A_353, %get3A_116 : vector<16xi1>, vector<16xf32>
        %add3A_355 = arith.constant 16 : i32
        %add3A_356 = vector.broadcast %add3A_355 : i32 to vector<16xi32>
        %add3A_357 = arith.addi %add3A_356, %iota3A : vector<16xi32>
        %eq3A_358 = vector.broadcast %min3A_172 : i32 to vector<16xi32>
        %eq3A_359 = arith.cmpi eq, %add3A_357, %eq3A_358 : vector<16xi32>
        %jit3A_360 = arith.constant 3.000000e+38 : f32
        %broadcast_in_dim3A_361 = vector.broadcast %jit3A_360 : f32 to vector<16xf32>
        %select_n3A_362 = arith.select %eq3A_359, %broadcast_in_dim3A_361, %get3A_119 : vector<16xi1>, vector<16xf32>
        %add3A_363 = arith.constant 32 : i32
        %add3A_364 = vector.broadcast %add3A_363 : i32 to vector<16xi32>
        %add3A_365 = arith.addi %add3A_364, %iota3A : vector<16xi32>
        %eq3A_366 = vector.broadcast %min3A_172 : i32 to vector<16xi32>
        %eq3A_367 = arith.cmpi eq, %add3A_365, %eq3A_366 : vector<16xi32>
        %jit3A_368 = arith.constant 3.000000e+38 : f32
        %broadcast_in_dim3A_369 = vector.broadcast %jit3A_368 : f32 to vector<16xf32>
        %select_n3A_370 = arith.select %eq3A_367, %broadcast_in_dim3A_369, %get3A_122 : vector<16xi1>, vector<16xf32>
        %add3A_371 = arith.constant 48 : i32
        %add3A_372 = vector.broadcast %add3A_371 : i32 to vector<16xi32>
        %add3A_373 = arith.addi %add3A_372, %iota3A : vector<16xi32>
        %eq3A_374 = vector.broadcast %min3A_172 : i32 to vector<16xi32>
        %eq3A_375 = arith.cmpi eq, %add3A_373, %eq3A_374 : vector<16xi32>
        %jit3A_376 = arith.constant 3.000000e+38 : f32
        %broadcast_in_dim3A_377 = vector.broadcast %jit3A_376 : f32 to vector<16xf32>
        %select_n3A_378 = arith.select %eq3A_375, %broadcast_in_dim3A_377, %get3A_125 : vector<16xi1>, vector<16xf32>
        %min3A_379 = arith.minimumf %select_n3A_354, %select_n3A_362 : vector<16xf32>
        %min3A_380 = arith.minimumf %select_n3A_370, %select_n3A_378 : vector<16xf32>
        %min3A_381 = arith.minimumf %min3A_379, %min3A_380 : vector<16xf32>
        %min3A_382 = arith.minimumf %min3A_381, %select_n3A_267 : vector<16xf32>
        %reduce_min3A_383 = arith.constant true
        %reduce_min3A_384 = vector.broadcast %reduce_min3A_383 : i1 to vector<16xi1>
        %reduce_min3A_385 = tpu.scan <min>, %min3A_382 masked %reduce_min3A_384 : vector<16xf32>, vector<16xi1> -> vector<16xf32>
        %reduce_min3A_386 = vector.extract %reduce_min3A_385[15] : f32 from vector<16xf32>
        %add3A_387 = arith.constant 0 : i32
        %add3A_388 = vector.broadcast %add3A_387 : i32 to vector<16xi32>
        %add3A_389 = arith.addi %add3A_388, %iota3A : vector<16xi32>
        %eq3A_390 = vector.broadcast %min3A_242 : i32 to vector<16xi32>
        %eq3A_391 = arith.cmpi eq, %add3A_389, %eq3A_390 : vector<16xi32>
        %and3A_392 = vector.broadcast %eq3A_177 : i1 to vector<16xi1>
        %and3A_393 = arith.andi %eq3A_391, %and3A_392 : vector<16xi1>
        %broadcast_in_dim3A_394 = vector.broadcast %reduce_min3A_386 : f32 to vector<16xf32>
        %select_n3A_395 = arith.select %and3A_393, %broadcast_in_dim3A_394, %select_n3A_322 : vector<16xi1>, vector<16xf32>
        %add3A_396 = arith.constant 16 : i32
        %add3A_397 = vector.broadcast %add3A_396 : i32 to vector<16xi32>
        %add3A_398 = arith.addi %add3A_397, %iota3A : vector<16xi32>
        %eq3A_399 = vector.broadcast %min3A_242 : i32 to vector<16xi32>
        %eq3A_400 = arith.cmpi eq, %add3A_398, %eq3A_399 : vector<16xi32>
        %and3A_401 = vector.broadcast %eq3A_177 : i1 to vector<16xi1>
        %and3A_402 = arith.andi %eq3A_400, %and3A_401 : vector<16xi1>
        %broadcast_in_dim3A_403 = vector.broadcast %reduce_min3A_386 : f32 to vector<16xf32>
        %select_n3A_404 = arith.select %and3A_402, %broadcast_in_dim3A_403, %select_n3A_330 : vector<16xi1>, vector<16xf32>
        %add3A_405 = arith.constant 32 : i32
        %add3A_406 = vector.broadcast %add3A_405 : i32 to vector<16xi32>
        %add3A_407 = arith.addi %add3A_406, %iota3A : vector<16xi32>
        %eq3A_408 = vector.broadcast %min3A_242 : i32 to vector<16xi32>
        %eq3A_409 = arith.cmpi eq, %add3A_407, %eq3A_408 : vector<16xi32>
        %and3A_410 = vector.broadcast %eq3A_177 : i1 to vector<16xi1>
        %and3A_411 = arith.andi %eq3A_409, %and3A_410 : vector<16xi1>
        %broadcast_in_dim3A_412 = vector.broadcast %reduce_min3A_386 : f32 to vector<16xf32>
        %select_n3A_413 = arith.select %and3A_411, %broadcast_in_dim3A_412, %select_n3A_338 : vector<16xi1>, vector<16xf32>
        %add3A_414 = arith.constant 48 : i32
        %add3A_415 = vector.broadcast %add3A_414 : i32 to vector<16xi32>
        %add3A_416 = arith.addi %add3A_415, %iota3A : vector<16xi32>
        %eq3A_417 = vector.broadcast %min3A_242 : i32 to vector<16xi32>
        %eq3A_418 = arith.cmpi eq, %add3A_416, %eq3A_417 : vector<16xi32>
        %and3A_419 = vector.broadcast %eq3A_177 : i1 to vector<16xi1>
        %and3A_420 = arith.andi %eq3A_418, %and3A_419 : vector<16xi1>
        %broadcast_in_dim3A_421 = vector.broadcast %reduce_min3A_386 : f32 to vector<16xf32>
        %select_n3A_422 = arith.select %and3A_420, %broadcast_in_dim3A_421, %select_n3A_346 : vector<16xi1>, vector<16xf32>
        %reduce_min3A_423 = arith.constant true
        %reduce_min3A_424 = vector.broadcast %reduce_min3A_423 : i1 to vector<16xi1>
        %reduce_min3A_425 = tpu.scan <min>, %select_n3A_310 masked %reduce_min3A_424 : vector<16xf32>, vector<16xi1> -> vector<16xf32>
        %reduce_min3A_426 = vector.extract %reduce_min3A_425[15] : f32 from vector<16xf32>
        %add3A_427 = arith.constant 0 : i32
        %add3A_428 = vector.broadcast %add3A_427 : i32 to vector<16xi32>
        %add3A_429 = arith.addi %add3A_428, %iota3A : vector<16xi32>
        %eq3A_430 = vector.broadcast %min3A_287 : i32 to vector<16xi32>
        %eq3A_431 = arith.cmpi eq, %add3A_429, %eq3A_430 : vector<16xi32>
        %min3A_432 = vector.broadcast %reduce_min3A_426 : f32 to vector<16xf32>
        %min3A_433 = arith.minimumf %select_n3A_395, %min3A_432 : vector<16xf32>
        %select_n3A_434 = arith.select %eq3A_431, %min3A_433, %select_n3A_395 : vector<16xi1>, vector<16xf32>
        %add3A_435 = arith.constant 16 : i32
        %add3A_436 = vector.broadcast %add3A_435 : i32 to vector<16xi32>
        %add3A_437 = arith.addi %add3A_436, %iota3A : vector<16xi32>
        %eq3A_438 = vector.broadcast %min3A_287 : i32 to vector<16xi32>
        %eq3A_439 = arith.cmpi eq, %add3A_437, %eq3A_438 : vector<16xi32>
        %min3A_440 = vector.broadcast %reduce_min3A_426 : f32 to vector<16xf32>
        %min3A_441 = arith.minimumf %select_n3A_404, %min3A_440 : vector<16xf32>
        %select_n3A_442 = arith.select %eq3A_439, %min3A_441, %select_n3A_404 : vector<16xi1>, vector<16xf32>
        %add3A_443 = arith.constant 32 : i32
        %add3A_444 = vector.broadcast %add3A_443 : i32 to vector<16xi32>
        %add3A_445 = arith.addi %add3A_444, %iota3A : vector<16xi32>
        %eq3A_446 = vector.broadcast %min3A_287 : i32 to vector<16xi32>
        %eq3A_447 = arith.cmpi eq, %add3A_445, %eq3A_446 : vector<16xi32>
        %min3A_448 = vector.broadcast %reduce_min3A_426 : f32 to vector<16xf32>
        %min3A_449 = arith.minimumf %select_n3A_413, %min3A_448 : vector<16xf32>
        %select_n3A_450 = arith.select %eq3A_447, %min3A_449, %select_n3A_413 : vector<16xi1>, vector<16xf32>
        %add3A_451 = arith.constant 48 : i32
        %add3A_452 = vector.broadcast %add3A_451 : i32 to vector<16xi32>
        %add3A_453 = arith.addi %add3A_452, %iota3A : vector<16xi32>
        %eq3A_454 = vector.broadcast %min3A_287 : i32 to vector<16xi32>
        %eq3A_455 = arith.cmpi eq, %add3A_453, %eq3A_454 : vector<16xi32>
        %min3A_456 = vector.broadcast %reduce_min3A_426 : f32 to vector<16xf32>
        %min3A_457 = arith.minimumf %select_n3A_422, %min3A_456 : vector<16xf32>
        %select_n3A_458 = arith.select %eq3A_455, %min3A_457, %select_n3A_422 : vector<16xi1>, vector<16xf32>
        %add3A_459 = arith.constant 1 : i32
        %add3A_460 = arith.addi %while3A_60, %add3A_459 : i32
        scf.yield %convert_element_type3A_175, %add3A_460, %select_n3A_434, %select_n3A_442, %select_n3A_450, %select_n3A_458 : i32, i32, vector<16xf32>, vector<16xf32>, vector<16xf32>, vector<16xf32>
      }
      "tpu.region"() ({
        %run_scoped3A = tpu.sem_alloc : memref<!tpu.dma_semaphore, #tpu.memory_space<semaphore_mem>>
        %dma_start3A = arith.constant 0 : i32
        %dma_start3A_59 = arith.constant 0 : i32
        %dma_start3A_60 = tpu.memref_slice %arg5[%add3A, %dma_start3A, %dma_start3A_59] : memref<8x64x64xf32, #tpu.memory_space<hbm>> -> memref<1x64x64xf32, #tpu.memory_space<hbm>>
        %dma_start3A_61 = tpu.memref_squeeze %dma_start3A_60 : memref<1x64x64xf32, #tpu.memory_space<hbm>> -> memref<64x64xf32, #tpu.memory_space<hbm>>
        %dma_start3A_62 = arith.constant 0 : i32
        %dma_start3A_63 = arith.constant 0 : i32
        %dma_start3A_64 = tpu.memref_slice %arg5[%add3A, %dma_start3A_62, %dma_start3A_63] : memref<8x64x64xf32, #tpu.memory_space<hbm>> -> memref<1x64x64xf32, #tpu.memory_space<hbm>>
        %dma_start3A_65 = tpu.memref_squeeze %dma_start3A_64 : memref<1x64x64xf32, #tpu.memory_space<hbm>> -> memref<64x64xf32, #tpu.memory_space<hbm>>
        tpu.enqueue_dma source(%arg10 : memref<64x64xf32, #tpu.memory_space<vmem>>) target(%dma_start3A_65 : memref<64x64xf32, #tpu.memory_space<hbm>>) target_semaphore(%run_scoped3A : memref<!tpu.dma_semaphore, #tpu.memory_space<semaphore_mem>>)
        %dma_wait3A = arith.constant 0 : i32
        %dma_wait3A_66 = arith.constant 0 : i32
        %dma_wait3A_67 = tpu.memref_slice %arg5[%add3A, %dma_wait3A, %dma_wait3A_66] : memref<8x64x64xf32, #tpu.memory_space<hbm>> -> memref<1x64x64xf32, #tpu.memory_space<hbm>>
        %dma_wait3A_68 = tpu.memref_squeeze %dma_wait3A_67 : memref<1x64x64xf32, #tpu.memory_space<hbm>> -> memref<64x64xf32, #tpu.memory_space<hbm>>
        %dma_wait3A_69 = arith.constant 0 : i32
        %dma_wait3A_70 = arith.constant 0 : i32
        %dma_wait3A_71 = tpu.memref_slice %arg5[%add3A, %dma_wait3A_69, %dma_wait3A_70] : memref<8x64x64xf32, #tpu.memory_space<hbm>> -> memref<1x64x64xf32, #tpu.memory_space<hbm>>
        %dma_wait3A_72 = tpu.memref_squeeze %dma_wait3A_71 : memref<1x64x64xf32, #tpu.memory_space<hbm>> -> memref<64x64xf32, #tpu.memory_space<hbm>>
        tpu.wait_dma2 semaphore(%run_scoped3A : memref<!tpu.dma_semaphore, #tpu.memory_space<semaphore_mem>>) src(%arg10 : memref<64x64xf32, #tpu.memory_space<vmem>>) dst(%dma_wait3A_72 : memref<64x64xf32, #tpu.memory_space<hbm>>)
        tpu.yield
      }) : () -> ()
    } else {
    }
    return
  }
}

</mosaic_0001>

<sc_bundles>
// kernel: kernel.3.cloned.1.call-start
scs
__scs_entry_jumppad:
0x0: {  	(pc) =	sbr.rel $0x88, $3  }
0x1: {  	(tag) =	ssettag $0x0;
	lr =	simm.s32 $0x1  }
0x2: {  	[smem:$0x3F9D] =	sst lr;
	_ =	strace $0xD0000000  }
0x3: {  	_ = 	snop  }
0x4: {  	_ = 	snop  }
0x5: {  	_ = 	snop  }
0x6: {  	_ = 	snop  }
0x7: {  	_ = 	snop  }
__scs_overlays_trampoline_lowered:
0x8: {  	[smem:$0x3FAC] =	sst s0  }
0x9: {  	[smem:$0x3FAD] =	sst s1  }
0xa: {  	[smem:$0x3FAE] =	sst s2  }
0xb: {  	[smem:$0x3FAF] =	sst s3  }
0xc: {  	[smem:$0x3FB0] =	sst s4  }
0xd: {  	[smem:$0x3FB1] =	sst s5  }
0xe: {  	[smem:$0x3FB2] =	sst s6  }
0xf: {  	[smem:$0x3FB3] =	sst s7  }
0x10: {  	[smem:$0x3FB4] =	sst s8  }
0x11: {  	[smem:$0x3FB5] =	sst s9;
	s0 =	simm.s32 @!p0 $0x0  }
0x12: {  	s1 =	sld [smem:$0x3F9B];
	s0 =	simm.s32 @p0 $0x1  }
0x13: {  	[smem:$0x3FB6] =	sst s0;
	s0 =	simm.s32 @!p1 $0x0  }
0x14: {  	s2 =	sld [smem:$0x3F9A];
	s0 =	simm.s32 @p1 $0x1  }
0x15: {  	[smem:$0x3FB7] =	sst s0;
	s0 =	simm.s32 @!p2 $0x0  }
0x16: {  	s3 =	sld [smem:$0x3FDB];
	s0 =	simm.s32 @p2 $0x1  }
0x17: {  	s4 =	simm.s32 $0x1BF5;
	[smem:$0x3FB9] =	sst s0  }
0x18: {  	s0 =	sld [smem:$0x3F9C];
	_ =	swait.ge [sflag:s4], $0x0  }
0x19: {  	s7 =	sld [smem:$0x3F9D]  }
0x1a: {  	s8 =	sadd.s32 $0xFFFFE003, lr  }
0x1b: {  	s9 =	sadd.s32 $0xFFFFFEF7, lr;
	s5 =	simm.s32 $0xFFFFFFFF;
	p2 =	slt.u32 s8, $0xFFFFF086  }
0x1c: {  	p1 =	slt.u32 s9, $0xF7A;
	s5 =	simm.s32 @!p2 $0x0  }
0x1d: {  	s5 =	simm.s32 @p1 $0x1;
	p0 =	seq.s32 s7, s2  }
0x1e: {  	s7 =	smul.u32 @!p0 $0xF7A, s2;
	p2 =	seq.s32 @!p0 s5, $0x0  }
0x1f: {  	s9 =	smul.u32 $0xF7A, s1;
	s8 =	simm.s32 @!p0 $0x1BF5;
	p2 =	por !p2, p0  }
0x20: {  	[sflag:s8] =	ssyncset.s32 @!p0 $0xFFFFF086;
	s6 =	sadd.s32 @!p0 s3, s7;
	s7 =	simm.s32 @!p0 $0x108  }
0x21: {  	s3 =	sadd.s32 s3, s9;
	s6 =	sadd.s32 @!p0 $0x88, s6;
	s7 =	simm.s32 @p2 $0x1082  }
0x22: {  	[simem:s7], [sflag:s8] =	dma.local @!p0 [hbm:s6], $0xF7A  }
0x23: {  	s9 =	sor.u32 $0xD0000000, s2;
	s6 =	simm.s32 $0x108;
	_ =	swait.ge @!p0 [sflag:s8], $0x0  }
0x24: {  	s3 =	sadd.s32 $0x88, s3;
	s6 =	simm.s32 @!p1 $0x1082;
	[sflag:s4] =	ssyncset.s32 $0xFFFFF086  }
0x25: {  	[simem:s6], [sflag:s4] =	dma.local [hbm:s3], $0xF7A  }
0x26: {  	[smem:$0x3F9D] =	sst s1;
	(tag) =	ssettag s2;
	_ =	strace s9  }
0x27: {  	s1 =	sld [smem:$0x3FAD]  }
0x28: {  	s2 =	sld [smem:$0x3FAE]  }
0x29: {  	s4 =	sld [smem:$0x3FB0]  }
0x2a: {  	p0 =	seq.s32 s5, $0x0;
	s5 =	sld [smem:$0x3FB1]  }
0x2b: {  	s6 =	sld [smem:$0x3FB2]  }
0x2c: {  	s7 =	sld [smem:$0x3FB3]  }
0x2d: {  	s3 =	simm.s32 $0x108;
	s8 =	sld [smem:$0x3FB4]  }
0x2e: {  	s3 =	simm.s32 @!p0 $0x1082;
	s9 =	sld [smem:$0x3FB5]  }
0x2f: {  	lr =	sadd.s32 s0, s3;
	s0 =	sld [smem:$0x3FAC]  }
0x30: {  	s3 =	sld [smem:$0x3FAF]  }
0x31: {  	[smem:$0x3FB8] =	sst s10  }
0x32: {  	s10 =	sld [smem:$0x3FB6];
	_ =	sdelay $0x3  }
0x33: {  	p0 =	seq.s32 s10, $0x1;
	s10 =	sld [smem:$0x3FB8];
	_ =	sdelay $0x3  }
0x34: {  	[smem:$0x3FB8] =	sst s10  }
0x35: {  	s10 =	sld [smem:$0x3FB7];
	_ =	sdelay $0x3  }
0x36: {  	p1 =	seq.s32 s10, $0x1;
	s10 =	sld [smem:$0x3FB8];
	_ =	sdelay $0x3  }
0x37: {  	[smem:$0x3FB8] =	sst s10  }
0x38: {  	s10 =	sld [smem:$0x3FB9]  }
0x39: {  	_ = 	snop;
	(pc) =	sbr.ind lr, $3  }
0x3a: {  	_ = 	snop  }
0x3b: {  	_ = 	snop  }
0x3c: {  	p2 =	seq.s32 s10, $0x1;
	s10 =	sld [smem:$0x3FB8]  }
0x3d: {  	_ =	shalt  }
0x3e: {  	_ =	shalt  }
0x3f: {  	_ =	shalt  }
0x40: {  	_ =	shalt  }
0x41: {  	_ =	shalt  }
0x42: {  	_ =	shalt  }
0x43: {  	_ =	shalt  }
0x44: {  	_ =	shalt  }
0x45: {  	_ =	shalt  }
0x46: {  	_ =	shalt  }
0x47: {  	_ =	shalt  }
0x48: {  	_ =	shalt  }
0x49: {  	_ =	shalt  }
0x4a: {  	_ =	shalt  }
0x4b: {  	_ =	shalt  }
0x4c: {  	_ =	shalt  }
0x4d: {  	_ =	shalt  }
0x4e: {  	_ =	shalt  }
0x4f: {  	_ =	shalt  }
0x50: {  	_ =	shalt  }
0x51: {  	_ =	shalt  }
0x52: {  	_ =	shalt  }
0x53: {  	_ =	shalt  }
0x54: {  	_ =	shalt  }
0x55: {  	_ =	shalt  }
0x56: {  	_ =	shalt  }
0x57: {  	_ =	shalt  }
0x58: {  	_ =	shalt  }
0x59: {  	_ =	shalt  }
0x5a: {  	_ =	shalt  }
0x5b: {  	_ =	shalt  }
0x5c: {  	_ =	shalt  }
0x5d: {  	_ =	shalt  }
0x5e: {  	_ =	shalt  }
0x5f: {  	_ =	shalt  }
0x60: {  	_ =	shalt  }
0x61: {  	_ =	shalt  }
0x62: {  	_ =	shalt  }
0x63: {  	_ =	shalt  }
0x64: {  	_ =	shalt  }
0x65: {  	_ =	shalt  }
0x66: {  	_ =	shalt  }
0x67: {  	_ =	shalt  }
0x68: {  	_ =	shalt  }
0x69: {  	_ =	shalt  }
0x6a: {  	_ =	shalt  }
0x6b: {  	_ =	shalt  }
0x6c: {  	_ =	shalt  }
0x6d: {  	_ =	shalt  }
0x6e: {  	_ =	shalt  }
0x6f: {  	_ =	shalt  }
0x70: {  	_ =	shalt  }
0x71: {  	_ =	shalt  }
0x72: {  	_ =	shalt  }
0x73: {  	_ =	shalt  }
0x74: {  	_ =	shalt  }
0x75: {  	_ =	shalt  }
0x76: {  	_ =	shalt  }
0x77: {  	_ =	shalt  }
0x78: {  	_ =	shalt  }
0x79: {  	_ =	shalt  }
0x7a: {  	_ =	shalt  }
0x7b: {  	_ =	shalt  }
0x7c: {  	_ =	shalt  }
0x7d: {  	_ =	shalt  }
0x7e: {  	_ =	shalt  }
0x7f: {  	_ =	shalt  }
0x80: {  	_ =	shalt  }
0x81: {  	_ =	shalt  }
0x82: {  	_ =	shalt  }
0x83: {  	_ =	shalt  }
0x84: {  	_ =	shalt  }
0x85: {  	_ =	shalt  }
0x86: {  	_ =	shalt  }
0x87: {  	_ =	shalt  }
.Lfunc_end0:
.L_simem_size_0:
called_computation_lowered:
.L_overlay_start_0:
0x88: {  	s2 =	sld [smem:$0x3FD9]  }
0x89: {  	s3 =	sld [smem:$0x3FFE];
	_ =	sdelay $0x1  }
0x8a: {  	s1 =	srdreg.scid  }
0x8b: {  	s0 =	sand.u32 $0x1, s1  }
0x8c: {  	s17 =	sshll.u32 s0, $0xA;
	s2 =	sadd.s32 s3, s2  }
0x8d: {  	s2 =	sadd.s32 s2, s17  }
0x8e: {  	[smem:$0x3FC4] =	sst s2  }
0x8f: {  	_ = 	snop  }
0x90: {  	s2 =	sld [smem:$0x3FC9]  }
0x91: {  	s18 =	sld [smem:$0x3FC8]  }
0x92: {  	s4 =	sld [smem:$0x3FD0];
	(tm) =	ssettm $0x1  }
0x93: {  	s5 =	sld [smem:$0x3FFB];
	_ =	sdelay $0x3  }
0x94: {  	_ =	strace s5  }
0x95: {  	s5 =	sld [smem:$0x3FFC];
	_ =	sdelay $0x3  }
0x96: {  	_ =	strace s5  }
0x97: {  	s5 =	sld [smem:$0x3FFD];
	_ =	sdelay $0x3  }
0x98: {  	_ =	strace s5  }
0x99: {  	_ =	strace $0x8FFFFFFF  }
0x9a: {  	s19 =	sld [smem:$0x3FDB];
	_ =	sdelay $0x1  }
0x9b: {  	s6 =	simm.s32 $_scs_section_size  }
0x9c: {  	s7 =	simm.s32 $_size__tile_overlayer_lowered;
	s8 =	simm.s32 $_tile_overlayer_lowered  }
0x9d: {  	s22 =	simm.s32 $0x1BFF;
	s21 =	sshll.u32 s8, $0x1;
	s5 =	sadd.s32 s6, s19  }
0x9e: {  	s9 =	simm.s32 $0x0;
	s20 =	sshll.u32 s7, $0x1;
	s7 =	sadd.s32 s21, s5  }
0x9f: {  	[timem:s9], [sflag:s22] =	dma.local [hbm:s7], s20  }
0xa0: {  	_ =	swait.ge [sflag:s22], s20  }
0xa1: {  	s6 =	ssub.s32 $0x0, s20;
	[sflag:s22] =	ssyncset.done $0x0  }
0xa2: {  	[sflag:s22] =	ssyncadd.s32 s6;
	_ =	sdelay $0x1  }
0xa3: {  	s23 =	simm.s32 $0x1B8B  }
0xa4: {  	_ =	swait.ge [sflag:s23], $0x1  }
0xa5: {  	[sflag:s23] =	ssyncset.done $0x0  }
0xa6: {  	s25 =	simm.s32 $0x1B8E;
	s24 =	sld [smem:$0x3FFE];
	[sflag:s23] =	ssyncadd.s32 $0xFFFFFFFF  }
0xa7: {  	s26 =	simm.s32 $execute0_lowered;
	[smem:$0x3FD2] =	sst s25  }
0xa8: {  	s7 =	sshll.u32 s26, $0x1;
	_ =	strace $0x80000046;
	[dreg:$0x1] =	wrdreg $0xFFFFFFFF  }
0xa9: {  	s28 =	simm.s32 $_size_execute0_lowered;
	s5 =	sadd.s32 s5, s7;
	[dreg:$0x0] =	wrdreg $0x0  }
0xaa: {  	s7 =	sshll.u32 s28, $0x1;
	[dreg:$0x2] =	wrdreg s5  }
0xab: {  	[dreg:$0x3] =	wrdreg s7  }
0xac: {  	[dreg:$0x4] =	wrdreg $0xC0  }
0xad: {  	_ =	task [dreg:s9], $0x5FFFF  }
0xae: {  	[dreg:$0x1] =	wrdreg $0xFFFFFFFF  }
0xaf: {  	[dreg:$0x0] =	wrdreg $0x60  }
0xb0: {  	[dreg:$0x2] =	wrdreg s2  }
0xb1: {  	[dreg:$0x3] =	wrdreg s18  }
0xb2: {  	[dreg:$0x4] =	wrdreg s24  }
0xb3: {  	[dreg:$0x5] =	wrdreg s4  }
0xb4: {  	[dreg:$0x6] =	wrdreg $0x9  }
0xb5: {  	_ =	task.clear_ibuf [dreg:s9], $0x7FFFF;
	_ =	strace $0x90000046  }
0xb6: {  	s29 =	simm.s32 $0x9;
	_ =	strace $0x80000048  }
0xb7: {  	_ =	swait.ge [sflag:s29], $0x1  }
0xb8: {  	[sflag:s29] =	ssyncadd.s32 $0xFFFFFFFF  }
0xb9: {  	_ =	strace $0x90000048  }
0xba: {  	_ =	sfence  }
0xbb: {  	s30 =	sld [smem:$0x0];
	_ =	sdelay $0x2  }
0xbc: {  	s31 =	sshll.u32 s1, $0xD;
	s1 =	sshrl.u32 s1, $0x2  }
0xbd: {  	s3 =	sand.u32 $0x4000, s31;
	s1 =	sadd.s32 s1, s30  }
0xbe: {  	s0 =	sor.u32 s3, s0;
	s1 =	sshll.u32 s1, $0x11  }
0xbf: {  	s0 =	sor.u32 s1, s0  }
0xc0: {  	s0 =	sadd.s32 $0x8F2B, s0  }
0xc1: {  	[sflag:s0] =	ssyncadd.remote.s32 $0x1  }
0xc2: {  	_ =	sfence.sel $0xFFFF  }
0xc3: {  	[dreg:$0x0] =	wrdreg $0xFFFFFFFF;
	(pc) =	sbr.abs _section_cstart, $3  }
0xc4: {  	[dreg:$0x1] =	wrdreg $0xFFFFFFFF  }
0xc5: {  	_ =	task.clear_ibuf [dreg:s9], $0x2FFFF;
	_ =	strace $0x9FFFFFFF  }
0xc6: {  	(tm) =	ssettm $0x7FFFFFFF  }
0xc7: {  	_ =	shalt  }
tec
execute0_lowered:
.L_overlay_start_1:
0x0: {  	(tag) =	ssettag $0x1  }
0x1: {  	s1 =	stileid.u32  }
0x2: {  	s6 =	rddreg [dreg:$0x0];
	p0 =	sgt.u32 s1, $0x3  }
.Ltmp0:
0x3: {  	s3 =	rddreg [dreg:$0x1];
	(pc) =	sbr.rel @p0 .LBB2_7-.Ltmp0, $4  }
0x4: {  	s4 =	rddreg [dreg:$0x2]  }
0x5: {  	s5 =	rddreg [dreg:$0x3];
	s2 =	simm.s32 $0x0  }
0x6: {  	[smem:$0x7FF] =	sst s2  }
0x7: {  	s0 =	rddreg [dreg:$0x4];
	_ =	strace $0x80000047  }
0x8: {  	s7 =	srdreg.scid;
	s8 =	sshll.u32 s1, $0x1;
	s11 =	simm.s32 $0x6000  }
0x9: {  	s12 =	simm.s32 $0x4000;
	s13 =	simm.s32 $0x8000;
	s7 =	sand.u32 $0x1, s7  }
0xa: {  	s14 =	simm.s32 $0x0;
	s8 =	sor.u32 s7, s8;
	s7 =	ssub.s32 $0x2, s7  }
0xb: {  	s9 =	sshll.u32 s8, $0xA;
	s8 =	sshll.u32 s8, $0x4;
	s10 =	sshrl.u32 s7, $0x1  }
0xc: {  	v0 =	vimm.f32 $3.000000010e+38;
	v1 =	vimm.f32 $0.0e+00;
	v2 =	vlaneseq.u32;
	s3 =	sadd.s32 s3, s9;
	s4 =	sadd.s32 s4, s8;
	s5 =	sadd.s32 s5, s9  }
0xd: {  	vm0 =	vmxor vm0, vm0;
	v7 =	vimm.f32 $1.000000000e+00;
	v3 =	vor.u32 $0x10, v2;
	s7 =	ssub.s32 s7, s10;
	s6 =	sadd.s32 s6, s9;
	s8 =	simm.s32 $0x1  }
0xe: {  	v4 =	vor.u32 $0x20, v2;
	v5 =	vor.u32 $0x30, v2;
	v6 =	vadd.s32 $0x1, v2;
	s9 =	simm.s32 $0x2000;
	s10 =	simm.s32 $0xA000;
	s7 =	smax.u32 s7, $0x1  }
.LBB2_2:
0xf: {  	s15 =	simm.s32 $0x0  }
0x10: {  	[tilespmem:s15], [sflag:$0x1] =	stream.linear.gather [hbm4b:s6+s15], $0x2000, $0x38;
	[tilespmem:$0xA080] =	vst v63  }
0x11: {  	_ =	swait.ge [sflag:s8], $0x2000  }
0x12: {  	[sflag:s8] =	ssyncset.done $0x0  }
0x13: {  	[sflag:s8] =	ssyncadd.s32 $0xFFFFE000  }
0x14: {  	[tilespmem:s9], [sflag:$0x1] =	stream.linear.gather [hbm4b:s3+s15], $0x2000, $0x38;
	[tilespmem:$0xA080] =	vst v63  }
0x15: {  	_ =	swait.ge [sflag:s8], $0x2000  }
0x16: {  	[sflag:s8] =	ssyncset.done $0x0  }
0x17: {  	[sflag:s8] =	ssyncadd.s32 $0xFFFFE000  }
0x18: {  	[tilespmem:s10], [sflag:$0x1] =	stream.linear.gather [hbm4b:s4+s15], $0x80, $0x38;
	[tilespmem:$0xA080] =	vst v63  }
0x19: {  	_ =	swait.ge [sflag:s8], $0x80  }
0x1a: {  	[sflag:s8] =	ssyncset.done $0x0  }
0x1b: {  	[sflag:s8] =	ssyncadd.s32 $0xFFFFFF80  }
0x1c: {  	s16 =	simm.s32 $0x200;
	s15 =	simm.s32 $0x0;
	v8 =	vld [tilespmem:$0xA000]  }
.LBB2_3:
0x1d: {  	p0 =	sne.s32 s16, $0x7E00;
	[tilespmem:s15+$0x4030] =	vst v1  }
0x1e: {  	[tilespmem:s15+$0x6000] =	vst v0  }
0x1f: {  	[tilespmem:s15+$0x8000] =	vst v1  }
0x20: {  	[tilespmem:s15+$0x4000] =	vst v1  }
0x21: {  	[tilespmem:s15+$0x6010] =	vst v0  }
0x22: {  	[tilespmem:s15+$0x8010] =	vst v1  }
0x23: {  	[tilespmem:s15+$0x4010] =	vst v1  }
.Ltmp1:
0x24: {  	[tilespmem:s15+$0x6020] =	vst v0;
	(pc) =	sbr.rel @p0 .LBB2_3-.Ltmp1, $4  }
0x25: {  	[tilespmem:s15+$0x8020] =	vst v1  }
0x26: {  	[tilespmem:s15+$0x4020] =	vst v1  }
0x27: {  	[tilespmem:s15+$0x6030] =	vst v0  }
0x28: {  	[tilespmem:s15+$0x8030] =	vst v1;
	s15 =	sshra.s32 s16, $0x2;
	s16 =	sadd.s32 $0x200, s16  }
0x29: {  	[tilespmem:s15+$0x4030] =	vst v1  }
0x2a: {  	[tilespmem:s15+$0x6000] =	vst v0  }
0x2b: {  	[tilespmem:s15+$0x8000] =	vst v1  }
0x2c: {  	[tilespmem:s15+$0x4000] =	vst v1;
	v9 =	vbroadcast v8, $0x0;
	v10 =	vbroadcast v8, $0x1  }
0x2d: {  	[tilespmem:s15+$0x6010] =	vst v0;
	(v2sf) =	vpush v8, $0x2  }
0x2e: {  	[tilespmem:s15+$0x8010] =	vst v1;
	(v2sf) =	vpush v8, $0x3;
	v11 =	vand.u32 $0xFFFFFF80, v10;
	v12 =	vshll.u32 v9, $0x7  }
0x2f: {  	[tilespmem:s15+$0x4010] =	vst v1;
	v8 =	vand.u32 $0x7F, v10;
	v10 =	vadd.s32 v11, v12  }
0x30: {  	[tilespmem:s15+$0x6020] =	vst v0;
	v12 =	vor.u32 v8, v10  }
0x31: {  	[tilespmem:s15+$0x8020] =	vst v1  }
0x32: {  	[tilespmem:s15+$0x4020] =	vst v1  }
0x33: {  	[tilespmem:s15+$0x6030] =	vst v0  }
0x34: {  	[tilespmem:s15+$0x8030] =	vst v1  }
0x35: {  	v8 =	vld.idx.msk [tilespmem:v12+s9+$0x0], $0xffff;
	_ =	sdelay $0x4  }
0x36: {  	v13 =	vbroadcast v8, $0x0  }
0x37: {  	vm1 =	veq.s32 v9, v2;
	vm2 =	veq.s32 v9, v4  }
0x38: {  	vm3 =	veq.s32 v9, v5;
	s15 =	spop (v2sf);
	v8 =	vnsel vm1, $0x7F61B1E6, v13;
	vm1 =	veq.s32 v9, v3  }
0x39: {  	s17 =	simm.s32 $0x0;
	v10 =	vnsel vm2, $0x7F61B1E6, v13;
	[tilespmem:v12+s11+$0x0] =	vst.idx.msk $0x1, v13;
	s16 =	spop (v2sf);
	v9 =	vnsel vm3, $0x7F61B1E6, v13;
	v11 =	vnsel vm1, $0x7F61B1E6, v13  }
.LBB2_5:
0x3a: {  	v12 =	vmin.f32 v8, v11;
	v13 =	vmin.f32 v10, v9  }
0x3b: {  	v12 =	vmin.f32 v12, v13  }
0x3c: {  	(xrf0) =	vmin.scan.msk.f32 $0xffff, v12;
	_ =	sdelay $0x5  }
0x3d: {  	v12, _, _ =	vpop (xrf0)  }
0x3e: {  	v12 =	vbroadcast v12, $0xF;
	_ =	sdelay $0x1  }
0x3f: {  	vm1 =	veq.f32 v8, v12  }
0x40: {  	v31 =	vmctz.xlane vm1  }
0x41: {  	vm1 =	veq.f32 v11, v12  }
0x42: {  	v32 =	vmctz.xlane vm1;
	vm1 =	veq.f32 v10, v12;
	(v2sf) =	vpush v31, $0x0  }
0x43: {  	v14 =	vmctz.xlane vm1;
	vm1 =	veq.f32 v9, v12  }
0x44: {  	(v2sf) =	vpush v32, $0x0;
	v33 =	vmctz.xlane vm1  }
0x45: {  	(v2sf) =	vpush v14, $0x0  }
0x46: {  	(v2sf) =	vpush v33, $0x0;
	_ =	sdelay $0xa  }
0x47: {  	s19 =	spop (v2sf)  }
0x48: {  	p0 =	sgt.s32 s19, $0xF  }
0x49: {  	s18 =	spop (v2sf);
	s19 =	simm.s32 @p0 $0x1000  }
0x4a: {  	p0 =	sgt.s32 s18, $0xF;
	s20 =	sadd.s32 $0x10, s18;
	s31 =	spop (v2sf)  }
0x4b: {  	s20 =	simm.s32 @p0 $0x1000;
	p0 =	sgt.s32 s31, $0xF;
	s21 =	spop (v2sf)  }
0x4c: {  	s22 =	sadd.s32 $0x20, s31;
	p1 =	sgt.s32 s21, $0xF;
	s18 =	sadd.s32 $0x30, s21  }
0x4d: {  	s22 =	simm.s32 @p0 $0x1000;
	s18 =	simm.s32 @p1 $0x1000  }
0x4e: {  	p0 =	slt.s32 s19, s20;
	p1 =	slt.s32 s22, s18  }
0x4f: {  	s20 =	smov.u32 @p0 s19;
	s18 =	smov.u32 @p1 s22  }
0x50: {  	p0 =	slt.s32 s20, s18  }
0x51: {  	s18 =	smov.u32 @p0 s20  }
0x52: {  	s21 =	sshll.u32 s18, $0x9  }
0x53: {  	s19 =	sshra.s32 s21, $0x2  }
0x54: {  	v34 =	vld [tilespmem:s19+$0x6000]  }
0x55: {  	v35 =	vld [tilespmem:s19+$0x6010]  }
0x56: {  	v15 =	vld [tilespmem:s19+$0x6020];
	_ =	sdelay $0x1  }
0x57: {  	v16 =	vld [tilespmem:s19+$0x6030]  }
0x58: {  	vm1 =	veq.f32 v34, v12  }
0x59: {  	v17 =	vmctz.xlane vm1;
	vm1 =	veq.f32 v35, v12  }
0x5a: {  	v18 =	vmctz.xlane vm1;
	vm1 =	veq.f32 v15, v12  }
0x5b: {  	(v2sf) =	vpush v17, $0x0;
	v36 =	vmctz.xlane vm1  }
0x5c: {  	vm1 =	veq.f32 v16, v12;
	(v2sf) =	vpush v18, $0x0  }
0x5d: {  	v12 =	vmctz.xlane vm1;
	(v2sf) =	vpush v36, $0x0;
	_ =	sdelay $0x1  }
0x5e: {  	(v2sf) =	vpush v12, $0x0;
	_ =	sdelay $0xa  }
0x5f: {  	s19 =	spop (v2sf)  }
0x60: {  	s22 =	spop (v2sf)  }
0x61: {  	p0 =	sgt.s32 s19, $0xF;
	s23 =	spop (v2sf)  }
0x62: {  	s19 =	simm.s32 @p0 $0x1000;
	p0 =	sgt.s32 s22, $0xF;
	s20 =	sadd.s32 $0x10, s22  }
0x63: {  	s20 =	simm.s32 @p0 $0x1000;
	p0 =	sgt.s32 s23, $0xF;
	s24 =	spop (v2sf)  }
0x64: {  	s21 =	sadd.s32 $0x20, s23;
	p1 =	sgt.s32 s24, $0xF;
	s22 =	sadd.s32 $0x30, s24  }
0x65: {  	s21 =	simm.s32 @p0 $0x1000;
	s22 =	simm.s32 @p1 $0x1000  }
0x66: {  	p0 =	slt.s32 s19, s20;
	p1 =	slt.s32 s21, s22  }
0x67: {  	s20 =	smov.u32 @p0 s19;
	s22 =	smov.u32 @p1 s21  }
0x68: {  	p0 =	slt.s32 s20, s22  }
0x69: {  	s19 =	sadd.s32 $0xFFFFFFFF, s18;
	s22 =	smov.u32 @p0 s20  }
0x6a: {  	p1 =	sgt.s32 s19, $0x0;
	s20 =	sadd.s32 $0xFFFFFFF9, s22  }
0x6b: {  	p0 =	slt.u32 s19, $0x40;
	s19 =	simm.s32 @!p1 $0x0;
	p2 =	sgt.s32 s20, $0x0  }
0x6c: {  	s25 =	smin.u32 s19, $0x3F;
	s20 =	simm.s32 @!p2 $0x0  }
0x6d: {  	v37 =	vmov s22;
	s23 =	sshll.u32 s25, $0x7;
	s26 =	smin.u32 s20, $0x30  }
0x6e: {  	s28 =	sshll.u32 s18, $0x7;
	v38 =	vand.u32 $0xFFFFFF80, v37;
	s29 =	sor.u32 s23, s26  }
0x6f: {  	v39 =	vand.u32 $0x7F, v37;
	v17 =	vadd.s32 s28, v38;
	v40 =	vld [tilespmem:s29+$0x6000]  }
0x70: {  	v17 =	vor.u32 v39, v17;
	_ =	sdelay $0x2  }
0x71: {  	vm1 =	vmmov vm0;
	v19 =	vsub.s32 s26, v37  }
0x72: {  	p5 =	sne.s32 s18, s15;
	p6 =	sne.s32 s22, s16;
	vm1 =	vmneg @p0 vm1;
	v19 =	vadd.s32 v6, v19;
	v41 =	vld [tilespmem:s29+$0x0];
	vm3 =	veq.f32 v40, $3.000000010e+38  }
0x73: {  	p0 =	por p5, p6;
	vm2 =	vlt.u32 v19, $0x3;
	v17 =	vld.idx.msk [tilespmem:v17+s12+$0x0], $0xffff;
	vm3 =	vmand vm1, vm3;
	vm1 =	vmmov vm0  }
0x74: {  	v42 =	vmov s25;
	vm3 =	vmand vm3, vm2;
	vm1 =	vmneg @p0 vm1  }
0x75: {  	v22 =	vshll.u32 v42, $0x7;
	v20 =	vadd.s32 s26, v2;
	v21 =	vld [tilespmem:s29+$0x2000];
	vm3 =	vmand vm1, vm3  }
0x76: {  	v22 =	vor.u32 v22, v20;
	_ =	sdelay $0x1  }
0x77: {  	p1 =	sgt.s32 s18, $0x0;
	s20 =	smov.u32 s18;
	v18 =	vadd.f32 v41, v17  }
0x78: {  	s20 =	simm.s32 @!p1 $0x0  }
0x79: {  	s20 =	smin.u32 s20, $0x3F;
	v21 =	vadd.f32 v21, v18  }
0x7a: {  	s30 =	sshll.u32 s20, $0x7;
	[tilespmem:v22+s12+$0x0] =	vst.idx.msk vm3, v18  }
0x7b: {  	s21 =	sor.u32 s30, s26;
	[tilespmem:v22+s11+$0x0] =	vst.idx.msk vm3, v21  }
0x7c: {  	v18 =	vld [tilespmem:s21+$0x6000];
	_ =	sdelay $0x2  }
0x7d: {  	vm5 =	vmmov vm0;
	p1 =	slt.u32 s18, $0x40;
	vm4 =	veq.s32 v20, s22  }
0x7e: {  	vm5 =	vmneg @p1 vm5;
	vm6 =	vmxor vm4, vm2;
	v22 =	vld [tilespmem:s21+$0x0]  }
0x7f: {  	vm5 =	vmand vm5, vm6;
	vm14 =	veq.f32 v18, $3.000000010e+38  }
0x80: {  	v43 =	vmov s20;
	v23 =	vld [tilespmem:s21+$0x2000];
	vm5 =	vmand vm14, vm5  }
0x81: {  	v24 =	vshll.u32 v43, $0x7;
	vm15 =	vmand vm1, vm4;
	vm5 =	vmand vm1, vm5  }
0x82: {  	v24 =	vor.u32 v24, v20;
	vm7 =	vmor vm15, vm5  }
0x83: {  	v22 =	vadd.f32 v22, v17  }
0x84: {  	s18 =	sadd.s32 $0x1, s18  }
0x85: {  	p2 =	sgt.s32 s18, $0x0;
	v23 =	vadd.f32 v23, v22  }
0x86: {  	p1 =	slt.u32 s18, $0x40;
	s18 =	simm.s32 @!p2 $0x0  }
0x87: {  	s18 =	smin.u32 s18, $0x3F;
	v25 =	vsel vm4, $0x7F3C1440, v23;
	[tilespmem:v24+s12+$0x0] =	vst.idx.msk vm5, v22  }
0x88: {  	s31 =	sshll.u32 s18, $0x7;
	[tilespmem:v24+s11+$0x0] =	vst.idx.msk vm7, v25  }
0x89: {  	s19 =	sor.u32 s31, s26;
	[tilespmem:v24+s13+$0x0] =	vst.idx.msk vm15, v7  }
0x8a: {  	vm9 =	veq.s32 v37, v2;
	vm10 =	veq.s32 v37, v4;
	v21 =	vnsel vm3, $0x7F61B1E6, v21;
	v22 =	vld [tilespmem:s19+$0x6000]  }
0x8b: {  	vm11 =	veq.s32 v37, v5;
	v13 =	vsel vm9, $0x7F61B1E6, v34;
	vm3 =	veq.s32 v37, v3;
	(xrf0) =	vmin.scan.msk.f32 $0xffff, v21;
	v24 =	vld [tilespmem:s19+$0x0]  }
0x8c: {  	v45 =	vsel vm10, $0x7F61B1E6, v15;
	v46 =	vsel vm11, $0x7F61B1E6, v16;
	v44 =	vsel vm3, $0x7F61B1E6, v35  }
0x8d: {  	v47 =	vmin.f32 v45, v46;
	v12 =	vmin.f32 v13, v44;
	v25 =	vld [tilespmem:s19+$0x2000]  }
0x8e: {  	v12 =	vmin.f32 v12, v47;
	v23 =	vnsel vm5, $0x7F61B1E6, v23  }
0x8f: {  	v51 =	vmov s18;
	vm3 =	vmmov vm0;
	v12 =	vmin.f32 v12, v23  }
0x90: {  	vm3 =	vmneg @p1 vm3;
	(xrf0) =	vmin.scan.msk.f32 $0xffff, v12;
	vm12 =	veq.f32 v22, $3.000000010e+38;
	v48 =	vadd.f32 v24, v17  }
0x91: {  	v53 =	vshll.u32 v51, $0x7;
	v50, _, _ =	vpop (xrf0);
	vm3 =	vmand vm3, vm12  }
0x92: {  	v12 =	vbroadcast v50, $0xF;
	vm2 =	vmand vm2, vm3;
	v49 =	vadd.f32 v25, v48  }
0x93: {  	v54 =	vor.u32 v53, v20;
	vm2 =	vmand vm1, vm2  }
0x94: {  	v55 =	vmin.f32 v8, v12;
	vm3 =	veq.s32 v42, v2;
	v52 =	vnsel vm2, $0x7F61B1E6, v49  }
0x95: {  	v56 =	vmin.f32 v11, v12;
	v8 =	vsel vm3, v55, v8;
	vm3 =	veq.s32 v42, v3;
	(xrf0) =	vmin.scan.msk.f32 $0xffff, v52  }
0x96: {  	v58 =	vmin.f32 v10, v12;
	v57, _, _ =	vpop (xrf0);
	v11 =	vsel vm3, v56, v11;
	vm3 =	veq.s32 v42, v4  }
0x97: {  	v59 =	vbroadcast v57, $0xF;
	v10 =	vsel vm3, v58, v10;
	vm3 =	veq.s32 v43, v2  }
0x98: {  	vm13 =	veq.s32 v42, v5;
	vm14 =	veq.s32 v43, v4;
	vm3 =	vmand vm3, vm1  }
0x99: {  	v12 =	vmin.f32 v9, v12;
	v8 =	vsel vm3, v59, v8;
	vm3 =	veq.s32 v43, v3  }
0x9a: {  	p1 =	slt.u32 @p0 s17, $0x1007;
	v9 =	vsel vm13, v12, v9;
	vm15 =	veq.s32 v43, v5;
	vm3 =	vmand vm3, vm1  }
0x9b: {  	p0 =	por !p0, !p1;
	[tilespmem:v54+s12+$0x0] =	vst.idx.msk vm2, v48;
	v11 =	vsel vm3, v59, v11;
	vm3 =	vmand vm14, vm1;
	vm1 =	vmand vm15, vm1;
	v60, _, _ =	vpop (xrf0)  }
.Ltmp2:
0x9c: {  	[tilespmem:v54+s11+$0x0] =	vst.idx.msk vm2, v49;
	vm2 =	veq.s32 v51, v2;
	v10 =	vsel vm3, v59, v10;
	v12 =	vbroadcast v60, $0xF;
	(pc) =	sbr.rel @!p0 .LBB2_5-.Ltmp2, $4  }
0x9d: {  	v9 =	vsel vm1, v59, v9;
	vm1 =	veq.s32 v51, v3;
	vm3 =	veq.s32 v51, v5  }
0x9e: {  	v61 =	vmin.f32 v8, v12;
	v62 =	vmin.f32 v11, v12;
	v63 =	vmin.f32 v10, v12  }
0x9f: {  	v12 =	vmin.f32 v9, v12;
	v8 =	vsel vm2, v61, v8;
	vm2 =	veq.s32 v51, v4  }
0xa0: {  	s17 =	sadd.s32 $0x1, s17;
	v11 =	vsel vm1, v62, v11;
	v9 =	vsel vm3, v12, v9;
	v10 =	vsel vm2, v63, v10  }
0xa1: {  	s14 =	sadd.s32 $0x1, s14  }
0xa2: {  	p0 =	sne.s32 s14, s7  }
.Ltmp3:
0xa3: {  	_ = 	snop;
	(pc) =	sbr.rel @p0 .LBB2_2-.Ltmp3, $4  }
0xa4: {  	[hbm4b:s5+s2] =	stream.linear.scatter [tilespmem:s13], [sflag:$0x1], $0x2000, $0x38;
	[tilespmem:$0xA080] =	vst v63  }
0xa5: {  	_ =	swait.ge [sflag:s8], $0x2000  }
0xa6: {  	[sflag:s8] =	ssyncset.done $0x0  }
0xa7: {  	[sflag:s8] =	ssyncadd.s32 $0xFFFFE000  }
.LBB2_7:
0xa8: {  	_ =	sfence.sel $0x180000  }
0xa9: {  	[bflag:$0x0] =	sbarrier.arrive $0xFFFF  }
0xaa: {  	p0 =	sne.s32 s1, $0x0;
	_ =	strace $0x90000047  }
0xab: {  	s0 =	sadd.s32 @!p0 $0x100000, s0;
	[bflag:$0x2] =	sbarrier.arrive $0xFFFF  }
0xac: {  	[sflag:s0] =	ssyncadd.tile.s32 @!p0 $0x1;
	_ =	shalt  }
.Lfunc_end2:
_tile_overlayer_lowered:
.L_overlay_start_2:
0xad: {  	(tag) =	ssettag $0x2  }
0xae: {  	s0 =	rddreg [dreg:$0x0];
	s2 =	stileid.u32  }
0xaf: {  	s1 =	rddreg [dreg:$0x1];
	p0 =	sne.s32 s2, $0x0  }
0xb0: {  	s3 =	rddreg [dreg:$0x2];
	[bflag:$0x3] =	sbarrier.arrive $0xFFFF;
	s2 =	simm.s32 @!p0 $0x1C01  }
0xb1: {  	[timem:s3], [sflag:s2] =	dma.local @!p0 [hbm:s0], s1  }
0xb2: {  	s0 =	simm.s32 @!p0 $0x1  }
0xb3: {  	_ =	swait.ge @!p0 [sflag:s0], s1  }
0xb4: {  	s1 =	ssub.s32 @!p0 $0x0, s1;
	[sflag:s0] =	ssyncset.done @!p0 $0x0  }
0xb5: {  	[sflag:s0] =	ssyncadd.s32 @!p0 s1  }
0xb6: {  	[bflag:$0x3] =	sbarrier.arrive $0xFFFF  }
0xb7: {  	_ =	shalt  }

</sc_bundles>
